<compile_context>
chip_gen: v7x
topology: tpu7x:2x2x1
jax: 0.10.2.dev20260603
libtpu: 0.0.44.dev20260713+nightly
codegen_flags: <defaults>
</compile_context>

<pallas_src>
import functools

import jax
import jax.numpy as jnp
from jax import lax
from jax.experimental import pallas as pl
from jax.experimental.pallas import tpu as pltpu
from jax.experimental.pallas import tpu_sc as plsc

M = 6
K = 64
NC = 2
NS = 16
NW = NC * NS
L = 16

CHUNK = 4096
NBUF = 3
UNROLL = 1


@functools.lru_cache(maxsize=None)
def _build(batch: int):
    assert batch % (NW * CHUNK) == 0
    rows_per_worker = batch // NW
    nchunks = rows_per_worker // CHUNK

    mesh = plsc.VectorSubcoreMesh(
        core_axis_name="c", subcore_axis_name="s",
        num_cores=NC, num_subcores=NS,
    )

    @functools.partial(
        pl.kernel,
        out_type=jax.ShapeDtypeStruct((batch,), jnp.float32),
        mesh=mesh,
        scratch_types=[
            pltpu.VMEM((M, CHUNK), jnp.int32),
            pltpu.VMEM((M, CHUNK), jnp.int32),
            pltpu.VMEM((M, CHUNK), jnp.int32),
            pltpu.VMEM((K,), jnp.float32),
            pltpu.VMEM((CHUNK,), jnp.float32),
            pltpu.VMEM((CHUNK,), jnp.float32),
            pltpu.VMEM((CHUNK,), jnp.float32),
            pltpu.SemaphoreType.DMA,
            pltpu.SemaphoreType.DMA,
            pltpu.SemaphoreType.DMA,
            pltpu.SemaphoreType.DMA,
            pltpu.SemaphoreType.DMA,
            pltpu.SemaphoreType.DMA,
        ],
        compiler_params=pltpu.CompilerParams(
            needs_layout_passes=False, use_tc_tiling_on_sc=True),
    )
    def mapper(bt_hbm, sym_hbm, out_hbm, b_v0, b_v1, b_v2, sym_v,
               o_v0, o_v1, o_v2, si0, si1, si2, so0, so1, so2):
        b_bufs = (b_v0, b_v1, b_v2)
        o_bufs = (o_v0, o_v1, o_v2)
        sems_in = (si0, si1, si2)
        sems_out = (so0, so1, so2)

        wid = lax.axis_index("s") * NC + lax.axis_index("c")
        row0 = wid * rows_per_worker

        def in_copy(c):
            buf = c % NBUF
            return pltpu.make_async_copy(
                bt_hbm.at[:, pl.ds(row0 + c * CHUNK, CHUNK)],
                b_bufs[buf], sems_in[buf])

        def out_copy(c):
            buf = c % NBUF
            return pltpu.make_async_copy(
                o_bufs[buf],
                out_hbm.at[pl.ds(row0 + c * CHUNK, CHUNK)],
                sems_out[buf])

        for c in range(min(NBUF, nchunks)):
            in_copy(c).start()
        pltpu.sync_copy(sym_hbm, sym_v)

        for c in range(nchunks):
            buf = c % NBUF
            in_copy(c).wait()
            if c >= NBUF:
                out_copy(c - NBUF).wait()

            bbuf = b_bufs[buf]
            obuf = o_bufs[buf]

            @plsc.parallel_loop(0, CHUNK // L, unroll=UNROLL)
            def _(g):
                off = g * L
                b0 = bbuf[0, pl.ds(off, L)]
                b1 = bbuf[1, pl.ds(off, L)]
                b2 = bbuf[2, pl.ds(off, L)]
                b3 = bbuf[3, pl.ds(off, L)]
                b4 = bbuf[4, pl.ds(off, L)]
                b5 = bbuf[5, pl.ds(off, L)]
                p01 = b0 * 2 + b1
                p23 = b2 * 2 + b3
                p45 = b4 * 2 + b5
                acc = (p01 * 4 + p23) * 4 + p45
                obuf[pl.ds(off, L)] = plsc.load_gather(sym_v, [acc])

            out_copy(c).start()
            if c + NBUF < nchunks:
                in_copy(c + NBUF).start()

        for c in range(max(nchunks - NBUF, 0), nchunks):
            out_copy(c).wait()

    return mapper


def kernel(b, symbols):
    batch = b.shape[0]
    flat = _build(batch)(b.T, symbols.reshape(-1))
    return flat.reshape(batch, 1, 1)

# --- scband reference (transcript-rebuilt; emitter-appended) ---
"""Pipeline reference for scband-custom-constellation-mapper-29351806501267 (READ-ONLY COPY).

The authoritative reference and input builder live on the scoring server;
editing this copy changes nothing except your own understanding.
"""

import jax, jax.numpy as jnp
import numpy as np

M = 6
K = 2 ** M
B = 1048576


def bits_to_onehot(b, k):
    m = b.shape[-1]
    powers = (2 ** jnp.arange(m - 1, -1, -1)).astype(jnp.int32)
    idx = jnp.sum(b.astype(jnp.int32) * powers, axis=-1)
    return jax.nn.one_hot(idx, k, dtype=jnp.float32)[:, :, None]  # [B, K, 1]


def setup_inputs(seed: int = 0) -> dict:
    key = jax.random.key(seed)
    b = jax.random.randint(key, (B, M), 0, 2, dtype=jnp.int32)
    # non-trainable buffer 'symbols' (registered in __init__, shape [K] before unsqueeze)
    symbols = jnp.arange(K, dtype=jnp.float32)
    return {"b": b, "symbols": symbols}


def reference(b, symbols):
    # symbols buffer is stored as [K, 1] (unsqueeze(1) in __init__)
    sym = symbols[:, None]  # [K, 1]
    B_hot = bits_to_onehot(b, sym.shape[0])  # [B, K, 1]
    c = sym[None, :, :]  # [1, K, 1] broadcast over batch (expand in torch)
    x = jnp.sum(B_hot * c, axis=1)  # [B, 1]
    x = x[:, None, :]  # unsqueeze(1) -> [B, 1, 1]
    return x

if __name__ == "__main__":
    import jax
    _d = setup_inputs()
    print(jax.jit(kernel)(*tuple(_d.values())))

</pallas_src>

<mosaic_0001>
#map = affine_map<(d0, d1) -> (0, 0)>
#map1 = affine_map<(d0, d1) -> (0)>
module attributes {stable_mosaic.version = 14 : i64} {
  func.func @mapper(%arg0: i32, %arg1: i32, %arg2: memref<6x1048576xi32, #tpu.memory_space<hbm>>, %arg3: memref<64xf32, #tpu.memory_space<hbm>>, %arg4: memref<1048576xf32, #tpu.memory_space<hbm>>, %arg5: memref<6x4096xi32, #tpu.memory_space<vmem>>, %arg6: memref<6x4096xi32, #tpu.memory_space<vmem>>, %arg7: memref<6x4096xi32, #tpu.memory_space<vmem>>, %arg8: memref<64xf32, #tpu.memory_space<vmem>>, %arg9: memref<4096xf32, #tpu.memory_space<vmem>>, %arg10: memref<4096xf32, #tpu.memory_space<vmem>>, %arg11: memref<4096xf32, #tpu.memory_space<vmem>>, %arg12: memref<!tpu.dma_semaphore, #tpu.memory_space<semaphore_mem>>, %arg13: memref<!tpu.dma_semaphore, #tpu.memory_space<semaphore_mem>>, %arg14: memref<!tpu.dma_semaphore, #tpu.memory_space<semaphore_mem>>, %arg15: memref<!tpu.dma_semaphore, #tpu.memory_space<semaphore_mem>>, %arg16: memref<!tpu.dma_semaphore, #tpu.memory_space<semaphore_mem>>, %arg17: memref<!tpu.dma_semaphore, #tpu.memory_space<semaphore_mem>>) attributes {dimension_semantics = [#tpu.dimension_semantics<core_parallel>, #tpu.dimension_semantics<subcore_parallel>], iteration_bounds = array<i64: 2, 16>, scalar_prefetch = 0 : i64, scratch_operands = 13 : i64, tpu.core_type = #tpu.core_type<sc_vector_subcore>, window_params = [{transform_indices = #map}, {transform_indices = #map1}, {transform_indices = #map1}]} {
    %mul3A = arith.constant 2 : i32
    %mul3A_0 = arith.muli %arg1, %mul3A : i32
    %add3A = arith.addi %mul3A_0, %arg0 : i32
    %mul3A_1 = arith.constant 32768 : i32
    %mul3A_2 = arith.muli %add3A, %mul3A_1 : i32
    %add3A_3 = arith.constant 0 : i32
    %add3A_4 = arith.addi %mul3A_2, %add3A_3 : i32
    %dma_start3A = arith.constant 0 : i32
    %dma_start3A_5 = tpu.memref_slice %arg2[%dma_start3A, %add3A_4] : memref<6x1048576xi32, #tpu.memory_space<hbm>> -> memref<6x4096xi32, #tpu.memory_space<hbm>>
    %dma_start3A_6 = arith.constant 0 : i32
    %dma_start3A_7 = tpu.memref_slice %arg2[%dma_start3A_6, %add3A_4] : memref<6x1048576xi32, #tpu.memory_space<hbm>> -> memref<6x4096xi32, #tpu.memory_space<hbm>>
    tpu.enqueue_dma source(%dma_start3A_7 : memref<6x4096xi32, #tpu.memory_space<hbm>>) target(%arg5 : memref<6x4096xi32, #tpu.memory_space<vmem>>) target_semaphore(%arg12 : memref<!tpu.dma_semaphore, #tpu.memory_space<semaphore_mem>>)
    %add3A_8 = arith.constant 4096 : i32
    %add3A_9 = arith.addi %mul3A_2, %add3A_8 : i32
    %dma_start3A_10 = arith.constant 0 : i32
    %dma_start3A_11 = tpu.memref_slice %arg2[%dma_start3A_10, %add3A_9] : memref<6x1048576xi32, #tpu.memory_space<hbm>> -> memref<6x4096xi32, #tpu.memory_space<hbm>>
    %dma_start3A_12 = arith.constant 0 : i32
    %dma_start3A_13 = tpu.memref_slice %arg2[%dma_start3A_12, %add3A_9] : memref<6x1048576xi32, #tpu.memory_space<hbm>> -> memref<6x4096xi32, #tpu.memory_space<hbm>>
    tpu.enqueue_dma source(%dma_start3A_13 : memref<6x4096xi32, #tpu.memory_space<hbm>>) target(%arg6 : memref<6x4096xi32, #tpu.memory_space<vmem>>) target_semaphore(%arg13 : memref<!tpu.dma_semaphore, #tpu.memory_space<semaphore_mem>>)
    %add3A_14 = arith.constant 8192 : i32
    %add3A_15 = arith.addi %mul3A_2, %add3A_14 : i32
    %dma_start3A_16 = arith.constant 0 : i32
    %dma_start3A_17 = tpu.memref_slice %arg2[%dma_start3A_16, %add3A_15] : memref<6x1048576xi32, #tpu.memory_space<hbm>> -> memref<6x4096xi32, #tpu.memory_space<hbm>>
    %dma_start3A_18 = arith.constant 0 : i32
    %dma_start3A_19 = tpu.memref_slice %arg2[%dma_start3A_18, %add3A_15] : memref<6x1048576xi32, #tpu.memory_space<hbm>> -> memref<6x4096xi32, #tpu.memory_space<hbm>>
    tpu.enqueue_dma source(%dma_start3A_19 : memref<6x4096xi32, #tpu.memory_space<hbm>>) target(%arg7 : memref<6x4096xi32, #tpu.memory_space<vmem>>) target_semaphore(%arg14 : memref<!tpu.dma_semaphore, #tpu.memory_space<semaphore_mem>>)
    "tpu.region"() ({
      %run_scoped3A = tpu.sem_alloc : memref<!tpu.dma_semaphore, #tpu.memory_space<semaphore_mem>>
      tpu.enqueue_dma source(%arg3 : memref<64xf32, #tpu.memory_space<hbm>>) target(%arg8 : memref<64xf32, #tpu.memory_space<vmem>>) target_semaphore(%run_scoped3A : memref<!tpu.dma_semaphore, #tpu.memory_space<semaphore_mem>>)
      tpu.wait_dma2 semaphore(%run_scoped3A : memref<!tpu.dma_semaphore, #tpu.memory_space<semaphore_mem>>) src(%arg3 : memref<64xf32, #tpu.memory_space<hbm>>) dst(%arg8 : memref<64xf32, #tpu.memory_space<vmem>>)
      tpu.yield
    }) : () -> ()
    %add3A_20 = arith.constant 0 : i32
    %add3A_21 = arith.addi %mul3A_2, %add3A_20 : i32
    %dma_wait3A = arith.constant 0 : i32
    %dma_wait3A_22 = tpu.memref_slice %arg2[%dma_wait3A, %add3A_21] : memref<6x1048576xi32, #tpu.memory_space<hbm>> -> memref<6x4096xi32, #tpu.memory_space<hbm>>
    %dma_wait3A_23 = arith.constant 0 : i32
    %dma_wait3A_24 = tpu.memref_slice %arg2[%dma_wait3A_23, %add3A_21] : memref<6x1048576xi32, #tpu.memory_space<hbm>> -> memref<6x4096xi32, #tpu.memory_space<hbm>>
    tpu.wait_dma2 semaphore(%arg12 : memref<!tpu.dma_semaphore, #tpu.memory_space<semaphore_mem>>) src(%dma_wait3A_24 : memref<6x4096xi32, #tpu.memory_space<hbm>>) dst(%arg5 : memref<6x4096xi32, #tpu.memory_space<vmem>>)
    %parallel_loop3A = arith.constant 0 : i32
    %parallel_loop3A_25 = arith.constant 256 : i32
    %parallel_loop3A_26 = arith.constant 1 : i32
    scf.for %parallel_loop3A_184 = %parallel_loop3A to %parallel_loop3A_25 step %parallel_loop3A_26  : i32 {
      %parallel_loop3A_185 = arith.constant 16 : i32
      %parallel_loop3A_186 = arith.muli %parallel_loop3A_184, %parallel_loop3A_185 : i32
      %parallel_loop3A_187 = arith.constant 0 : i32
      %parallel_loop3A_188 = arith.index_cast %parallel_loop3A_187 : i32 to index
      %parallel_loop3A_189 = arith.index_cast %parallel_loop3A_186 : i32 to index
      %parallel_loop3A_190 = tpu.vector_load %arg5[%parallel_loop3A_188, %parallel_loop3A_189] {strides = array<i32>} : memref<6x4096xi32, #tpu.memory_space<vmem>>, vector<16xi32>,
      %parallel_loop3A_191 = arith.constant 1 : i32
      %parallel_loop3A_192 = arith.index_cast %parallel_loop3A_191 : i32 to index
      %parallel_loop3A_193 = arith.index_cast %parallel_loop3A_186 : i32 to index
      %parallel_loop3A_194 = tpu.vector_load %arg5[%parallel_loop3A_192, %parallel_loop3A_193] {strides = array<i32>} : memref<6x4096xi32, #tpu.memory_space<vmem>>, vector<16xi32>,
      %parallel_loop3A_195 = arith.constant 2 : i32
      %parallel_loop3A_196 = arith.index_cast %parallel_loop3A_195 : i32 to index
      %parallel_loop3A_197 = arith.index_cast %parallel_loop3A_186 : i32 to index
      %parallel_loop3A_198 = tpu.vector_load %arg5[%parallel_loop3A_196, %parallel_loop3A_197] {strides = array<i32>} : memref<6x4096xi32, #tpu.memory_space<vmem>>, vector<16xi32>,
      %parallel_loop3A_199 = arith.constant 3 : i32
      %parallel_loop3A_200 = arith.index_cast %parallel_loop3A_199 : i32 to index
      %parallel_loop3A_201 = arith.index_cast %parallel_loop3A_186 : i32 to index
      %parallel_loop3A_202 = tpu.vector_load %arg5[%parallel_loop3A_200, %parallel_loop3A_201] {strides = array<i32>} : memref<6x4096xi32, #tpu.memory_space<vmem>>, vector<16xi32>,
      %parallel_loop3A_203 = arith.constant 4 : i32
      %parallel_loop3A_204 = arith.index_cast %parallel_loop3A_203 : i32 to index
      %parallel_loop3A_205 = arith.index_cast %parallel_loop3A_186 : i32 to index
      %parallel_loop3A_206 = tpu.vector_load %arg5[%parallel_loop3A_204, %parallel_loop3A_205] {strides = array<i32>} : memref<6x4096xi32, #tpu.memory_space<vmem>>, vector<16xi32>,
      %parallel_loop3A_207 = arith.constant 5 : i32
      %parallel_loop3A_208 = arith.index_cast %parallel_loop3A_207 : i32 to index
      %parallel_loop3A_209 = arith.index_cast %parallel_loop3A_186 : i32 to index
      %parallel_loop3A_210 = tpu.vector_load %arg5[%parallel_loop3A_208, %parallel_loop3A_209] {strides = array<i32>} : memref<6x4096xi32, #tpu.memory_space<vmem>>, vector<16xi32>,
      %parallel_loop3A_211 = arith.constant 2 : i32
      %parallel_loop3A_212 = vector.broadcast %parallel_loop3A_211 : i32 to vector<16xi32>
      %parallel_loop3A_213 = arith.muli %parallel_loop3A_190, %parallel_loop3A_212 : vector<16xi32>
      %parallel_loop3A_214 = arith.addi %parallel_loop3A_213, %parallel_loop3A_194 : vector<16xi32>
      %parallel_loop3A_215 = arith.constant 2 : i32
      %parallel_loop3A_216 = vector.broadcast %parallel_loop3A_215 : i32 to vector<16xi32>
      %parallel_loop3A_217 = arith.muli %parallel_loop3A_198, %parallel_loop3A_216 : vector<16xi32>
      %parallel_loop3A_218 = arith.addi %parallel_loop3A_217, %parallel_loop3A_202 : vector<16xi32>
      %parallel_loop3A_219 = arith.constant 2 : i32
      %parallel_loop3A_220 = vector.broadcast %parallel_loop3A_219 : i32 to vector<16xi32>
      %parallel_loop3A_221 = arith.muli %parallel_loop3A_206, %parallel_loop3A_220 : vector<16xi32>
      %parallel_loop3A_222 = arith.addi %parallel_loop3A_221, %parallel_loop3A_210 : vector<16xi32>
      %parallel_loop3A_223 = arith.constant 4 : i32
      %parallel_loop3A_224 = vector.broadcast %parallel_loop3A_223 : i32 to vector<16xi32>
      %parallel_loop3A_225 = arith.muli %parallel_loop3A_214, %parallel_loop3A_224 : vector<16xi32>
      %parallel_loop3A_226 = arith.addi %parallel_loop3A_225, %parallel_loop3A_218 : vector<16xi32>
      %parallel_loop3A_227 = arith.constant 4 : i32
      %parallel_loop3A_228 = vector.broadcast %parallel_loop3A_227 : i32 to vector<16xi32>
      %parallel_loop3A_229 = arith.muli %parallel_loop3A_226, %parallel_loop3A_228 : vector<16xi32>
      %parallel_loop3A_230 = arith.addi %parallel_loop3A_229, %parallel_loop3A_222 : vector<16xi32>
      %parallel_loop3A_231 = tpu.vector_load_idx %arg8[%parallel_loop3A_230] : memref<64xf32, #tpu.memory_space<vmem>>[vector<16xi32>], vector<16xf32>,
      %parallel_loop3A_232 = arith.index_cast %parallel_loop3A_186 : i32 to index
      %parallel_loop3A_233 = tpu.vector_load %arg9[%parallel_loop3A_232] {strides = array<i32>} : memref<4096xf32, #tpu.memory_space<vmem>>, vector<16xf32>,
      tpu.vector_store %arg9[%parallel_loop3A_232], %parallel_loop3A_231 {strides = array<i32>} : memref<4096xf32, #tpu.memory_space<vmem>>, vector<16xf32>,
    } {sc.loop_unroll_factor = 1 : i64, sc.parallel_access}
    %add3A_27 = arith.constant 0 : i32
    %add3A_28 = arith.addi %mul3A_2, %add3A_27 : i32
    %dma_start3A_29 = tpu.memref_slice %arg4[%add3A_28] : memref<1048576xf32, #tpu.memory_space<hbm>> -> memref<4096xf32, #tpu.memory_space<hbm>>
    %dma_start3A_30 = tpu.memref_slice %arg4[%add3A_28] : memref<1048576xf32, #tpu.memory_space<hbm>> -> memref<4096xf32, #tpu.memory_space<hbm>>
    tpu.enqueue_dma source(%arg9 : memref<4096xf32, #tpu.memory_space<vmem>>) target(%dma_start3A_30 : memref<4096xf32, #tpu.memory_space<hbm>>) target_semaphore(%arg15 : memref<!tpu.dma_semaphore, #tpu.memory_space<semaphore_mem>>)
    %add3A_31 = arith.constant 12288 : i32
    %add3A_32 = arith.addi %mul3A_2, %add3A_31 : i32
    %dma_start3A_33 = arith.constant 0 : i32
    %dma_start3A_34 = tpu.memref_slice %arg2[%dma_start3A_33, %add3A_32] : memref<6x1048576xi32, #tpu.memory_space<hbm>> -> memref<6x4096xi32, #tpu.memory_space<hbm>>
    %dma_start3A_35 = arith.constant 0 : i32
    %dma_start3A_36 = tpu.memref_slice %arg2[%dma_start3A_35, %add3A_32] : memref<6x1048576xi32, #tpu.memory_space<hbm>> -> memref<6x4096xi32, #tpu.memory_space<hbm>>
    tpu.enqueue_dma source(%dma_start3A_36 : memref<6x4096xi32, #tpu.memory_space<hbm>>) target(%arg5 : memref<6x4096xi32, #tpu.memory_space<vmem>>) target_semaphore(%arg12 : memref<!tpu.dma_semaphore, #tpu.memory_space<semaphore_mem>>)
    %add3A_37 = arith.constant 4096 : i32
    %add3A_38 = arith.addi %mul3A_2, %add3A_37 : i32
    %dma_wait3A_39 = arith.constant 0 : i32
    %dma_wait3A_40 = tpu.memref_slice %arg2[%dma_wait3A_39, %add3A_38] : memref<6x1048576xi32, #tpu.memory_space<hbm>> -> memref<6x4096xi32, #tpu.memory_space<hbm>>
    %dma_wait3A_41 = arith.constant 0 : i32
    %dma_wait3A_42 = tpu.memref_slice %arg2[%dma_wait3A_41, %add3A_38] : memref<6x1048576xi32, #tpu.memory_space<hbm>> -> memref<6x4096xi32, #tpu.memory_space<hbm>>
    tpu.wait_dma2 semaphore(%arg13 : memref<!tpu.dma_semaphore, #tpu.memory_space<semaphore_mem>>) src(%dma_wait3A_42 : memref<6x4096xi32, #tpu.memory_space<hbm>>) dst(%arg6 : memref<6x4096xi32, #tpu.memory_space<vmem>>)
    %parallel_loop3A_43 = arith.constant 0 : i32
    %parallel_loop3A_44 = arith.constant 256 : i32
    %parallel_loop3A_45 = arith.constant 1 : i32
    scf.for %parallel_loop3A_184 = %parallel_loop3A_43 to %parallel_loop3A_44 step %parallel_loop3A_45  : i32 {
      %parallel_loop3A_185 = arith.constant 16 : i32
      %parallel_loop3A_186 = arith.muli %parallel_loop3A_184, %parallel_loop3A_185 : i32
      %parallel_loop3A_187 = arith.constant 0 : i32
      %parallel_loop3A_188 = arith.index_cast %parallel_loop3A_187 : i32 to index
      %parallel_loop3A_189 = arith.index_cast %parallel_loop3A_186 : i32 to index
      %parallel_loop3A_190 = tpu.vector_load %arg6[%parallel_loop3A_188, %parallel_loop3A_189] {strides = array<i32>} : memref<6x4096xi32, #tpu.memory_space<vmem>>, vector<16xi32>,
      %parallel_loop3A_191 = arith.constant 1 : i32
      %parallel_loop3A_192 = arith.index_cast %parallel_loop3A_191 : i32 to index
      %parallel_loop3A_193 = arith.index_cast %parallel_loop3A_186 : i32 to index
      %parallel_loop3A_194 = tpu.vector_load %arg6[%parallel_loop3A_192, %parallel_loop3A_193] {strides = array<i32>} : memref<6x4096xi32, #tpu.memory_space<vmem>>, vector<16xi32>,
      %parallel_loop3A_195 = arith.constant 2 : i32
      %parallel_loop3A_196 = arith.index_cast %parallel_loop3A_195 : i32 to index
      %parallel_loop3A_197 = arith.index_cast %parallel_loop3A_186 : i32 to index
      %parallel_loop3A_198 = tpu.vector_load %arg6[%parallel_loop3A_196, %parallel_loop3A_197] {strides = array<i32>} : memref<6x4096xi32, #tpu.memory_space<vmem>>, vector<16xi32>,
      %parallel_loop3A_199 = arith.constant 3 : i32
      %parallel_loop3A_200 = arith.index_cast %parallel_loop3A_199 : i32 to index
      %parallel_loop3A_201 = arith.index_cast %parallel_loop3A_186 : i32 to index
      %parallel_loop3A_202 = tpu.vector_load %arg6[%parallel_loop3A_200, %parallel_loop3A_201] {strides = array<i32>} : memref<6x4096xi32, #tpu.memory_space<vmem>>, vector<16xi32>,
      %parallel_loop3A_203 = arith.constant 4 : i32
      %parallel_loop3A_204 = arith.index_cast %parallel_loop3A_203 : i32 to index
      %parallel_loop3A_205 = arith.index_cast %parallel_loop3A_186 : i32 to index
      %parallel_loop3A_206 = tpu.vector_load %arg6[%parallel_loop3A_204, %parallel_loop3A_205] {strides = array<i32>} : memref<6x4096xi32, #tpu.memory_space<vmem>>, vector<16xi32>,
      %parallel_loop3A_207 = arith.constant 5 : i32
      %parallel_loop3A_208 = arith.index_cast %parallel_loop3A_207 : i32 to index
      %parallel_loop3A_209 = arith.index_cast %parallel_loop3A_186 : i32 to index
      %parallel_loop3A_210 = tpu.vector_load %arg6[%parallel_loop3A_208, %parallel_loop3A_209] {strides = array<i32>} : memref<6x4096xi32, #tpu.memory_space<vmem>>, vector<16xi32>,
      %parallel_loop3A_211 = arith.constant 2 : i32
      %parallel_loop3A_212 = vector.broadcast %parallel_loop3A_211 : i32 to vector<16xi32>
      %parallel_loop3A_213 = arith.muli %parallel_loop3A_190, %parallel_loop3A_212 : vector<16xi32>
      %parallel_loop3A_214 = arith.addi %parallel_loop3A_213, %parallel_loop3A_194 : vector<16xi32>
      %parallel_loop3A_215 = arith.constant 2 : i32
      %parallel_loop3A_216 = vector.broadcast %parallel_loop3A_215 : i32 to vector<16xi32>
      %parallel_loop3A_217 = arith.muli %parallel_loop3A_198, %parallel_loop3A_216 : vector<16xi32>
      %parallel_loop3A_218 = arith.addi %parallel_loop3A_217, %parallel_loop3A_202 : vector<16xi32>
      %parallel_loop3A_219 = arith.constant 2 : i32
      %parallel_loop3A_220 = vector.broadcast %parallel_loop3A_219 : i32 to vector<16xi32>
      %parallel_loop3A_221 = arith.muli %parallel_loop3A_206, %parallel_loop3A_220 : vector<16xi32>
      %parallel_loop3A_222 = arith.addi %parallel_loop3A_221, %parallel_loop3A_210 : vector<16xi32>
      %parallel_loop3A_223 = arith.constant 4 : i32
      %parallel_loop3A_224 = vector.broadcast %parallel_loop3A_223 : i32 to vector<16xi32>
      %parallel_loop3A_225 = arith.muli %parallel_loop3A_214, %parallel_loop3A_224 : vector<16xi32>
      %parallel_loop3A_226 = arith.addi %parallel_loop3A_225, %parallel_loop3A_218 : vector<16xi32>
      %parallel_loop3A_227 = arith.constant 4 : i32
      %parallel_loop3A_228 = vector.broadcast %parallel_loop3A_227 : i32 to vector<16xi32>
      %parallel_loop3A_229 = arith.muli %parallel_loop3A_226, %parallel_loop3A_228 : vector<16xi32>
      %parallel_loop3A_230 = arith.addi %parallel_loop3A_229, %parallel_loop3A_222 : vector<16xi32>
      %parallel_loop3A_231 = tpu.vector_load_idx %arg8[%parallel_loop3A_230] : memref<64xf32, #tpu.memory_space<vmem>>[vector<16xi32>], vector<16xf32>,
      %parallel_loop3A_232 = arith.index_cast %parallel_loop3A_186 : i32 to index
      %parallel_loop3A_233 = tpu.vector_load %arg10[%parallel_loop3A_232] {strides = array<i32>} : memref<4096xf32, #tpu.memory_space<vmem>>, vector<16xf32>,
      tpu.vector_store %arg10[%parallel_loop3A_232], %parallel_loop3A_231 {strides = array<i32>} : memref<4096xf32, #tpu.memory_space<vmem>>, vector<16xf32>,
    } {sc.loop_unroll_factor = 1 : i64, sc.parallel_access}
    %add3A_46 = arith.constant 4096 : i32
    %add3A_47 = arith.addi %mul3A_2, %add3A_46 : i32
    %dma_start3A_48 = tpu.memref_slice %arg4[%add3A_47] : memref<1048576xf32, #tpu.memory_space<hbm>> -> memref<4096xf32, #tpu.memory_space<hbm>>
    %dma_start3A_49 = tpu.memref_slice %arg4[%add3A_47] : memref<1048576xf32, #tpu.memory_space<hbm>> -> memref<4096xf32, #tpu.memory_space<hbm>>
    tpu.enqueue_dma source(%arg10 : memref<4096xf32, #tpu.memory_space<vmem>>) target(%dma_start3A_49 : memref<4096xf32, #tpu.memory_space<hbm>>) target_semaphore(%arg16 : memref<!tpu.dma_semaphore, #tpu.memory_space<semaphore_mem>>)
    %add3A_50 = arith.constant 16384 : i32
    %add3A_51 = arith.addi %mul3A_2, %add3A_50 : i32
    %dma_start3A_52 = arith.constant 0 : i32
    %dma_start3A_53 = tpu.memref_slice %arg2[%dma_start3A_52, %add3A_51] : memref<6x1048576xi32, #tpu.memory_space<hbm>> -> memref<6x4096xi32, #tpu.memory_space<hbm>>
    %dma_start3A_54 = arith.constant 0 : i32
    %dma_start3A_55 = tpu.memref_slice %arg2[%dma_start3A_54, %add3A_51] : memref<6x1048576xi32, #tpu.memory_space<hbm>> -> memref<6x4096xi32, #tpu.memory_space<hbm>>
    tpu.enqueue_dma source(%dma_start3A_55 : memref<6x4096xi32, #tpu.memory_space<hbm>>) target(%arg6 : memref<6x4096xi32, #tpu.memory_space<vmem>>) target_semaphore(%arg13 : memref<!tpu.dma_semaphore, #tpu.memory_space<semaphore_mem>>)
    %add3A_56 = arith.constant 8192 : i32
    %add3A_57 = arith.addi %mul3A_2, %add3A_56 : i32
    %dma_wait3A_58 = arith.constant 0 : i32
    %dma_wait3A_59 = tpu.memref_slice %arg2[%dma_wait3A_58, %add3A_57] : memref<6x1048576xi32, #tpu.memory_space<hbm>> -> memref<6x4096xi32, #tpu.memory_space<hbm>>
    %dma_wait3A_60 = arith.constant 0 : i32
    %dma_wait3A_61 = tpu.memref_slice %arg2[%dma_wait3A_60, %add3A_57] : memref<6x1048576xi32, #tpu.memory_space<hbm>> -> memref<6x4096xi32, #tpu.memory_space<hbm>>
    tpu.wait_dma2 semaphore(%arg14 : memref<!tpu.dma_semaphore, #tpu.memory_space<semaphore_mem>>) src(%dma_wait3A_61 : memref<6x4096xi32, #tpu.memory_space<hbm>>) dst(%arg7 : memref<6x4096xi32, #tpu.memory_space<vmem>>)
    %parallel_loop3A_62 = arith.constant 0 : i32
    %parallel_loop3A_63 = arith.constant 256 : i32
    %parallel_loop3A_64 = arith.constant 1 : i32
    scf.for %parallel_loop3A_184 = %parallel_loop3A_62 to %parallel_loop3A_63 step %parallel_loop3A_64  : i32 {
      %parallel_loop3A_185 = arith.constant 16 : i32
      %parallel_loop3A_186 = arith.muli %parallel_loop3A_184, %parallel_loop3A_185 : i32
      %parallel_loop3A_187 = arith.constant 0 : i32
      %parallel_loop3A_188 = arith.index_cast %parallel_loop3A_187 : i32 to index
      %parallel_loop3A_189 = arith.index_cast %parallel_loop3A_186 : i32 to index
      %parallel_loop3A_190 = tpu.vector_load %arg7[%parallel_loop3A_188, %parallel_loop3A_189] {strides = array<i32>} : memref<6x4096xi32, #tpu.memory_space<vmem>>, vector<16xi32>,
      %parallel_loop3A_191 = arith.constant 1 : i32
      %parallel_loop3A_192 = arith.index_cast %parallel_loop3A_191 : i32 to index
      %parallel_loop3A_193 = arith.index_cast %parallel_loop3A_186 : i32 to index
      %parallel_loop3A_194 = tpu.vector_load %arg7[%parallel_loop3A_192, %parallel_loop3A_193] {strides = array<i32>} : memref<6x4096xi32, #tpu.memory_space<vmem>>, vector<16xi32>,
      %parallel_loop3A_195 = arith.constant 2 : i32
      %parallel_loop3A_196 = arith.index_cast %parallel_loop3A_195 : i32 to index
      %parallel_loop3A_197 = arith.index_cast %parallel_loop3A_186 : i32 to index
      %parallel_loop3A_198 = tpu.vector_load %arg7[%parallel_loop3A_196, %parallel_loop3A_197] {strides = array<i32>} : memref<6x4096xi32, #tpu.memory_space<vmem>>, vector<16xi32>,
      %parallel_loop3A_199 = arith.constant 3 : i32
      %parallel_loop3A_200 = arith.index_cast %parallel_loop3A_199 : i32 to index
      %parallel_loop3A_201 = arith.index_cast %parallel_loop3A_186 : i32 to index
      %parallel_loop3A_202 = tpu.vector_load %arg7[%parallel_loop3A_200, %parallel_loop3A_201] {strides = array<i32>} : memref<6x4096xi32, #tpu.memory_space<vmem>>, vector<16xi32>,
      %parallel_loop3A_203 = arith.constant 4 : i32
      %parallel_loop3A_204 = arith.index_cast %parallel_loop3A_203 : i32 to index
      %parallel_loop3A_205 = arith.index_cast %parallel_loop3A_186 : i32 to index
      %parallel_loop3A_206 = tpu.vector_load %arg7[%parallel_loop3A_204, %parallel_loop3A_205] {strides = array<i32>} : memref<6x4096xi32, #tpu.memory_space<vmem>>, vector<16xi32>,
      %parallel_loop3A_207 = arith.constant 5 : i32
      %parallel_loop3A_208 = arith.index_cast %parallel_loop3A_207 : i32 to index
      %parallel_loop3A_209 = arith.index_cast %parallel_loop3A_186 : i32 to index
      %parallel_loop3A_210 = tpu.vector_load %arg7[%parallel_loop3A_208, %parallel_loop3A_209] {strides = array<i32>} : memref<6x4096xi32, #tpu.memory_space<vmem>>, vector<16xi32>,
      %parallel_loop3A_211 = arith.constant 2 : i32
      %parallel_loop3A_212 = vector.broadcast %parallel_loop3A_211 : i32 to vector<16xi32>
      %parallel_loop3A_213 = arith.muli %parallel_loop3A_190, %parallel_loop3A_212 : vector<16xi32>
      %parallel_loop3A_214 = arith.addi %parallel_loop3A_213, %parallel_loop3A_194 : vector<16xi32>
      %parallel_loop3A_215 = arith.constant 2 : i32
      %parallel_loop3A_216 = vector.broadcast %parallel_loop3A_215 : i32 to vector<16xi32>
      %parallel_loop3A_217 = arith.muli %parallel_loop3A_198, %parallel_loop3A_216 : vector<16xi32>
      %parallel_loop3A_218 = arith.addi %parallel_loop3A_217, %parallel_loop3A_202 : vector<16xi32>
      %parallel_loop3A_219 = arith.constant 2 : i32
      %parallel_loop3A_220 = vector.broadcast %parallel_loop3A_219 : i32 to vector<16xi32>
      %parallel_loop3A_221 = arith.muli %parallel_loop3A_206, %parallel_loop3A_220 : vector<16xi32>
      %parallel_loop3A_222 = arith.addi %parallel_loop3A_221, %parallel_loop3A_210 : vector<16xi32>
      %parallel_loop3A_223 = arith.constant 4 : i32
      %parallel_loop3A_224 = vector.broadcast %parallel_loop3A_223 : i32 to vector<16xi32>
      %parallel_loop3A_225 = arith.muli %parallel_loop3A_214, %parallel_loop3A_224 : vector<16xi32>
      %parallel_loop3A_226 = arith.addi %parallel_loop3A_225, %parallel_loop3A_218 : vector<16xi32>
      %parallel_loop3A_227 = arith.constant 4 : i32
      %parallel_loop3A_228 = vector.broadcast %parallel_loop3A_227 : i32 to vector<16xi32>
      %parallel_loop3A_229 = arith.muli %parallel_loop3A_226, %parallel_loop3A_228 : vector<16xi32>
      %parallel_loop3A_230 = arith.addi %parallel_loop3A_229, %parallel_loop3A_222 : vector<16xi32>
      %parallel_loop3A_231 = tpu.vector_load_idx %arg8[%parallel_loop3A_230] : memref<64xf32, #tpu.memory_space<vmem>>[vector<16xi32>], vector<16xf32>,
      %parallel_loop3A_232 = arith.index_cast %parallel_loop3A_186 : i32 to index
      %parallel_loop3A_233 = tpu.vector_load %arg11[%parallel_loop3A_232] {strides = array<i32>} : memref<4096xf32, #tpu.memory_space<vmem>>, vector<16xf32>,
      tpu.vector_store %arg11[%parallel_loop3A_232], %parallel_loop3A_231 {strides = array<i32>} : memref<4096xf32, #tpu.memory_space<vmem>>, vector<16xf32>,
    } {sc.loop_unroll_factor = 1 : i64, sc.parallel_access}
    %add3A_65 = arith.constant 8192 : i32
    %add3A_66 = arith.addi %mul3A_2, %add3A_65 : i32
    %dma_start3A_67 = tpu.memref_slice %arg4[%add3A_66] : memref<1048576xf32, #tpu.memory_space<hbm>> -> memref<4096xf32, #tpu.memory_space<hbm>>
    %dma_start3A_68 = tpu.memref_slice %arg4[%add3A_66] : memref<1048576xf32, #tpu.memory_space<hbm>> -> memref<4096xf32, #tpu.memory_space<hbm>>
    tpu.enqueue_dma source(%arg11 : memref<4096xf32, #tpu.memory_space<vmem>>) target(%dma_start3A_68 : memref<4096xf32, #tpu.memory_space<hbm>>) target_semaphore(%arg17 : memref<!tpu.dma_semaphore, #tpu.memory_space<semaphore_mem>>)
    %add3A_69 = arith.constant 20480 : i32
    %add3A_70 = arith.addi %mul3A_2, %add3A_69 : i32
    %dma_start3A_71 = arith.constant 0 : i32
    %dma_start3A_72 = tpu.memref_slice %arg2[%dma_start3A_71, %add3A_70] : memref<6x1048576xi32, #tpu.memory_space<hbm>> -> memref<6x4096xi32, #tpu.memory_space<hbm>>
    %dma_start3A_73 = arith.constant 0 : i32
    %dma_start3A_74 = tpu.memref_slice %arg2[%dma_start3A_73, %add3A_70] : memref<6x1048576xi32, #tpu.memory_space<hbm>> -> memref<6x4096xi32, #tpu.memory_space<hbm>>
    tpu.enqueue_dma source(%dma_start3A_74 : memref<6x4096xi32, #tpu.memory_space<hbm>>) target(%arg7 : memref<6x4096xi32, #tpu.memory_space<vmem>>) target_semaphore(%arg14 : memref<!tpu.dma_semaphore, #tpu.memory_space<semaphore_mem>>)
    %add3A_75 = arith.constant 12288 : i32
    %add3A_76 = arith.addi %mul3A_2, %add3A_75 : i32
    %dma_wait3A_77 = arith.constant 0 : i32
    %dma_wait3A_78 = tpu.memref_slice %arg2[%dma_wait3A_77, %add3A_76] : memref<6x1048576xi32, #tpu.memory_space<hbm>> -> memref<6x4096xi32, #tpu.memory_space<hbm>>
    %dma_wait3A_79 = arith.constant 0 : i32
    %dma_wait3A_80 = tpu.memref_slice %arg2[%dma_wait3A_79, %add3A_76] : memref<6x1048576xi32, #tpu.memory_space<hbm>> -> memref<6x4096xi32, #tpu.memory_space<hbm>>
    tpu.wait_dma2 semaphore(%arg12 : memref<!tpu.dma_semaphore, #tpu.memory_space<semaphore_mem>>) src(%dma_wait3A_80 : memref<6x4096xi32, #tpu.memory_space<hbm>>) dst(%arg5 : memref<6x4096xi32, #tpu.memory_space<vmem>>)
    %add3A_81 = arith.constant 0 : i32
    %add3A_82 = arith.addi %mul3A_2, %add3A_81 : i32
    %dma_wait3A_83 = tpu.memref_slice %arg4[%add3A_82] : memref<1048576xf32, #tpu.memory_space<hbm>> -> memref<4096xf32, #tpu.memory_space<hbm>>
    %dma_wait3A_84 = tpu.memref_slice %arg4[%add3A_82] : memref<1048576xf32, #tpu.memory_space<hbm>> -> memref<4096xf32, #tpu.memory_space<hbm>>
    tpu.wait_dma2 semaphore(%arg15 : memref<!tpu.dma_semaphore, #tpu.memory_space<semaphore_mem>>) src(%arg9 : memref<4096xf32, #tpu.memory_space<vmem>>) dst(%dma_wait3A_84 : memref<4096xf32, #tpu.memory_space<hbm>>)
    %parallel_loop3A_85 = arith.constant 0 : i32
    %parallel_loop3A_86 = arith.constant 256 : i32
    %parallel_loop3A_87 = arith.constant 1 : i32
    scf.for %parallel_loop3A_184 = %parallel_loop3A_85 to %parallel_loop3A_86 step %parallel_loop3A_87  : i32 {
      %parallel_loop3A_185 = arith.constant 16 : i32
      %parallel_loop3A_186 = arith.muli %parallel_loop3A_184, %parallel_loop3A_185 : i32
      %parallel_loop3A_187 = arith.constant 0 : i32
      %parallel_loop3A_188 = arith.index_cast %parallel_loop3A_187 : i32 to index
      %parallel_loop3A_189 = arith.index_cast %parallel_loop3A_186 : i32 to index
      %parallel_loop3A_190 = tpu.vector_load %arg5[%parallel_loop3A_188, %parallel_loop3A_189] {strides = array<i32>} : memref<6x4096xi32, #tpu.memory_space<vmem>>, vector<16xi32>,
      %parallel_loop3A_191 = arith.constant 1 : i32
      %parallel_loop3A_192 = arith.index_cast %parallel_loop3A_191 : i32 to index
      %parallel_loop3A_193 = arith.index_cast %parallel_loop3A_186 : i32 to index
      %parallel_loop3A_194 = tpu.vector_load %arg5[%parallel_loop3A_192, %parallel_loop3A_193] {strides = array<i32>} : memref<6x4096xi32, #tpu.memory_space<vmem>>, vector<16xi32>,
      %parallel_loop3A_195 = arith.constant 2 : i32
      %parallel_loop3A_196 = arith.index_cast %parallel_loop3A_195 : i32 to index
      %parallel_loop3A_197 = arith.index_cast %parallel_loop3A_186 : i32 to index
      %parallel_loop3A_198 = tpu.vector_load %arg5[%parallel_loop3A_196, %parallel_loop3A_197] {strides = array<i32>} : memref<6x4096xi32, #tpu.memory_space<vmem>>, vector<16xi32>,
      %parallel_loop3A_199 = arith.constant 3 : i32
      %parallel_loop3A_200 = arith.index_cast %parallel_loop3A_199 : i32 to index
      %parallel_loop3A_201 = arith.index_cast %parallel_loop3A_186 : i32 to index
      %parallel_loop3A_202 = tpu.vector_load %arg5[%parallel_loop3A_200, %parallel_loop3A_201] {strides = array<i32>} : memref<6x4096xi32, #tpu.memory_space<vmem>>, vector<16xi32>,
      %parallel_loop3A_203 = arith.constant 4 : i32
      %parallel_loop3A_204 = arith.index_cast %parallel_loop3A_203 : i32 to index
      %parallel_loop3A_205 = arith.index_cast %parallel_loop3A_186 : i32 to index
      %parallel_loop3A_206 = tpu.vector_load %arg5[%parallel_loop3A_204, %parallel_loop3A_205] {strides = array<i32>} : memref<6x4096xi32, #tpu.memory_space<vmem>>, vector<16xi32>,
      %parallel_loop3A_207 = arith.constant 5 : i32
      %parallel_loop3A_208 = arith.index_cast %parallel_loop3A_207 : i32 to index
      %parallel_loop3A_209 = arith.index_cast %parallel_loop3A_186 : i32 to index
      %parallel_loop3A_210 = tpu.vector_load %arg5[%parallel_loop3A_208, %parallel_loop3A_209] {strides = array<i32>} : memref<6x4096xi32, #tpu.memory_space<vmem>>, vector<16xi32>,
      %parallel_loop3A_211 = arith.constant 2 : i32
      %parallel_loop3A_212 = vector.broadcast %parallel_loop3A_211 : i32 to vector<16xi32>
      %parallel_loop3A_213 = arith.muli %parallel_loop3A_190, %parallel_loop3A_212 : vector<16xi32>
      %parallel_loop3A_214 = arith.addi %parallel_loop3A_213, %parallel_loop3A_194 : vector<16xi32>
      %parallel_loop3A_215 = arith.constant 2 : i32
      %parallel_loop3A_216 = vector.broadcast %parallel_loop3A_215 : i32 to vector<16xi32>
      %parallel_loop3A_217 = arith.muli %parallel_loop3A_198, %parallel_loop3A_216 : vector<16xi32>
      %parallel_loop3A_218 = arith.addi %parallel_loop3A_217, %parallel_loop3A_202 : vector<16xi32>
      %parallel_loop3A_219 = arith.constant 2 : i32
      %parallel_loop3A_220 = vector.broadcast %parallel_loop3A_219 : i32 to vector<16xi32>
      %parallel_loop3A_221 = arith.muli %parallel_loop3A_206, %parallel_loop3A_220 : vector<16xi32>
      %parallel_loop3A_222 = arith.addi %parallel_loop3A_221, %parallel_loop3A_210 : vector<16xi32>
      %parallel_loop3A_223 = arith.constant 4 : i32
      %parallel_loop3A_224 = vector.broadcast %parallel_loop3A_223 : i32 to vector<16xi32>
      %parallel_loop3A_225 = arith.muli %parallel_loop3A_214, %parallel_loop3A_224 : vector<16xi32>
      %parallel_loop3A_226 = arith.addi %parallel_loop3A_225, %parallel_loop3A_218 : vector<16xi32>
      %parallel_loop3A_227 = arith.constant 4 : i32
      %parallel_loop3A_228 = vector.broadcast %parallel_loop3A_227 : i32 to vector<16xi32>
      %parallel_loop3A_229 = arith.muli %parallel_loop3A_226, %parallel_loop3A_228 : vector<16xi32>
      %parallel_loop3A_230 = arith.addi %parallel_loop3A_229, %parallel_loop3A_222 : vector<16xi32>
      %parallel_loop3A_231 = tpu.vector_load_idx %arg8[%parallel_loop3A_230] : memref<64xf32, #tpu.memory_space<vmem>>[vector<16xi32>], vector<16xf32>,
      %parallel_loop3A_232 = arith.index_cast %parallel_loop3A_186 : i32 to index
      %parallel_loop3A_233 = tpu.vector_load %arg9[%parallel_loop3A_232] {strides = array<i32>} : memref<4096xf32, #tpu.memory_space<vmem>>, vector<16xf32>,
      tpu.vector_store %arg9[%parallel_loop3A_232], %parallel_loop3A_231 {strides = array<i32>} : memref<4096xf32, #tpu.memory_space<vmem>>, vector<16xf32>,
    } {sc.loop_unroll_factor = 1 : i64, sc.parallel_access}
    %add3A_88 = arith.constant 12288 : i32
    %add3A_89 = arith.addi %mul3A_2, %add3A_88 : i32
    %dma_start3A_90 = tpu.memref_slice %arg4[%add3A_89] : memref<1048576xf32, #tpu.memory_space<hbm>> -> memref<4096xf32, #tpu.memory_space<hbm>>
    %dma_start3A_91 = tpu.memref_slice %arg4[%add3A_89] : memref<1048576xf32, #tpu.memory_space<hbm>> -> memref<4096xf32, #tpu.memory_space<hbm>>
    tpu.enqueue_dma source(%arg9 : memref<4096xf32, #tpu.memory_space<vmem>>) target(%dma_start3A_91 : memref<4096xf32, #tpu.memory_space<hbm>>) target_semaphore(%arg15 : memref<!tpu.dma_semaphore, #tpu.memory_space<semaphore_mem>>)
    %add3A_92 = arith.constant 24576 : i32
    %add3A_93 = arith.addi %mul3A_2, %add3A_92 : i32
    %dma_start3A_94 = arith.constant 0 : i32
    %dma_start3A_95 = tpu.memref_slice %arg2[%dma_start3A_94, %add3A_93] : memref<6x1048576xi32, #tpu.memory_space<hbm>> -> memref<6x4096xi32, #tpu.memory_space<hbm>>
    %dma_start3A_96 = arith.constant 0 : i32
    %dma_start3A_97 = tpu.memref_slice %arg2[%dma_start3A_96, %add3A_93] : memref<6x1048576xi32, #tpu.memory_space<hbm>> -> memref<6x4096xi32, #tpu.memory_space<hbm>>
    tpu.enqueue_dma source(%dma_start3A_97 : memref<6x4096xi32, #tpu.memory_space<hbm>>) target(%arg5 : memref<6x4096xi32, #tpu.memory_space<vmem>>) target_semaphore(%arg12 : memref<!tpu.dma_semaphore, #tpu.memory_space<semaphore_mem>>)
    %add3A_98 = arith.constant 16384 : i32
    %add3A_99 = arith.addi %mul3A_2, %add3A_98 : i32
    %dma_wait3A_100 = arith.constant 0 : i32
    %dma_wait3A_101 = tpu.memref_slice %arg2[%dma_wait3A_100, %add3A_99] : memref<6x1048576xi32, #tpu.memory_space<hbm>> -> memref<6x4096xi32, #tpu.memory_space<hbm>>
    %dma_wait3A_102 = arith.constant 0 : i32
    %dma_wait3A_103 = tpu.memref_slice %arg2[%dma_wait3A_102, %add3A_99] : memref<6x1048576xi32, #tpu.memory_space<hbm>> -> memref<6x4096xi32, #tpu.memory_space<hbm>>
    tpu.wait_dma2 semaphore(%arg13 : memref<!tpu.dma_semaphore, #tpu.memory_space<semaphore_mem>>) src(%dma_wait3A_103 : memref<6x4096xi32, #tpu.memory_space<hbm>>) dst(%arg6 : memref<6x4096xi32, #tpu.memory_space<vmem>>)
    %add3A_104 = arith.constant 4096 : i32
    %add3A_105 = arith.addi %mul3A_2, %add3A_104 : i32
    %dma_wait3A_106 = tpu.memref_slice %arg4[%add3A_105] : memref<1048576xf32, #tpu.memory_space<hbm>> -> memref<4096xf32, #tpu.memory_space<hbm>>
    %dma_wait3A_107 = tpu.memref_slice %arg4[%add3A_105] : memref<1048576xf32, #tpu.memory_space<hbm>> -> memref<4096xf32, #tpu.memory_space<hbm>>
    tpu.wait_dma2 semaphore(%arg16 : memref<!tpu.dma_semaphore, #tpu.memory_space<semaphore_mem>>) src(%arg10 : memref<4096xf32, #tpu.memory_space<vmem>>) dst(%dma_wait3A_107 : memref<4096xf32, #tpu.memory_space<hbm>>)
    %parallel_loop3A_108 = arith.constant 0 : i32
    %parallel_loop3A_109 = arith.constant 256 : i32
    %parallel_loop3A_110 = arith.constant 1 : i32
    scf.for %parallel_loop3A_184 = %parallel_loop3A_108 to %parallel_loop3A_109 step %parallel_loop3A_110  : i32 {
      %parallel_loop3A_185 = arith.constant 16 : i32
      %parallel_loop3A_186 = arith.muli %parallel_loop3A_184, %parallel_loop3A_185 : i32
      %parallel_loop3A_187 = arith.constant 0 : i32
      %parallel_loop3A_188 = arith.index_cast %parallel_loop3A_187 : i32 to index
      %parallel_loop3A_189 = arith.index_cast %parallel_loop3A_186 : i32 to index
      %parallel_loop3A_190 = tpu.vector_load %arg6[%parallel_loop3A_188, %parallel_loop3A_189] {strides = array<i32>} : memref<6x4096xi32, #tpu.memory_space<vmem>>, vector<16xi32>,
      %parallel_loop3A_191 = arith.constant 1 : i32
      %parallel_loop3A_192 = arith.index_cast %parallel_loop3A_191 : i32 to index
      %parallel_loop3A_193 = arith.index_cast %parallel_loop3A_186 : i32 to index
      %parallel_loop3A_194 = tpu.vector_load %arg6[%parallel_loop3A_192, %parallel_loop3A_193] {strides = array<i32>} : memref<6x4096xi32, #tpu.memory_space<vmem>>, vector<16xi32>,
      %parallel_loop3A_195 = arith.constant 2 : i32
      %parallel_loop3A_196 = arith.index_cast %parallel_loop3A_195 : i32 to index
      %parallel_loop3A_197 = arith.index_cast %parallel_loop3A_186 : i32 to index
      %parallel_loop3A_198 = tpu.vector_load %arg6[%parallel_loop3A_196, %parallel_loop3A_197] {strides = array<i32>} : memref<6x4096xi32, #tpu.memory_space<vmem>>, vector<16xi32>,
      %parallel_loop3A_199 = arith.constant 3 : i32
      %parallel_loop3A_200 = arith.index_cast %parallel_loop3A_199 : i32 to index
      %parallel_loop3A_201 = arith.index_cast %parallel_loop3A_186 : i32 to index
      %parallel_loop3A_202 = tpu.vector_load %arg6[%parallel_loop3A_200, %parallel_loop3A_201] {strides = array<i32>} : memref<6x4096xi32, #tpu.memory_space<vmem>>, vector<16xi32>,
      %parallel_loop3A_203 = arith.constant 4 : i32
      %parallel_loop3A_204 = arith.index_cast %parallel_loop3A_203 : i32 to index
      %parallel_loop3A_205 = arith.index_cast %parallel_loop3A_186 : i32 to index
      %parallel_loop3A_206 = tpu.vector_load %arg6[%parallel_loop3A_204, %parallel_loop3A_205] {strides = array<i32>} : memref<6x4096xi32, #tpu.memory_space<vmem>>, vector<16xi32>,
      %parallel_loop3A_207 = arith.constant 5 : i32
      %parallel_loop3A_208 = arith.index_cast %parallel_loop3A_207 : i32 to index
      %parallel_loop3A_209 = arith.index_cast %parallel_loop3A_186 : i32 to index
      %parallel_loop3A_210 = tpu.vector_load %arg6[%parallel_loop3A_208, %parallel_loop3A_209] {strides = array<i32>} : memref<6x4096xi32, #tpu.memory_space<vmem>>, vector<16xi32>,
      %parallel_loop3A_211 = arith.constant 2 : i32
      %parallel_loop3A_212 = vector.broadcast %parallel_loop3A_211 : i32 to vector<16xi32>
      %parallel_loop3A_213 = arith.muli %parallel_loop3A_190, %parallel_loop3A_212 : vector<16xi32>
      %parallel_loop3A_214 = arith.addi %parallel_loop3A_213, %parallel_loop3A_194 : vector<16xi32>
      %parallel_loop3A_215 = arith.constant 2 : i32
      %parallel_loop3A_216 = vector.broadcast %parallel_loop3A_215 : i32 to vector<16xi32>
      %parallel_loop3A_217 = arith.muli %parallel_loop3A_198, %parallel_loop3A_216 : vector<16xi32>
      %parallel_loop3A_218 = arith.addi %parallel_loop3A_217, %parallel_loop3A_202 : vector<16xi32>
      %parallel_loop3A_219 = arith.constant 2 : i32
      %parallel_loop3A_220 = vector.broadcast %parallel_loop3A_219 : i32 to vector<16xi32>
      %parallel_loop3A_221 = arith.muli %parallel_loop3A_206, %parallel_loop3A_220 : vector<16xi32>
      %parallel_loop3A_222 = arith.addi %parallel_loop3A_221, %parallel_loop3A_210 : vector<16xi32>
      %parallel_loop3A_223 = arith.constant 4 : i32
      %parallel_loop3A_224 = vector.broadcast %parallel_loop3A_223 : i32 to vector<16xi32>
      %parallel_loop3A_225 = arith.muli %parallel_loop3A_214, %parallel_loop3A_224 : vector<16xi32>
      %parallel_loop3A_226 = arith.addi %parallel_loop3A_225, %parallel_loop3A_218 : vector<16xi32>
      %parallel_loop3A_227 = arith.constant 4 : i32
      %parallel_loop3A_228 = vector.broadcast %parallel_loop3A_227 : i32 to vector<16xi32>
      %parallel_loop3A_229 = arith.muli %parallel_loop3A_226, %parallel_loop3A_228 : vector<16xi32>
      %parallel_loop3A_230 = arith.addi %parallel_loop3A_229, %parallel_loop3A_222 : vector<16xi32>
      %parallel_loop3A_231 = tpu.vector_load_idx %arg8[%parallel_loop3A_230] : memref<64xf32, #tpu.memory_space<vmem>>[vector<16xi32>], vector<16xf32>,
      %parallel_loop3A_232 = arith.index_cast %parallel_loop3A_186 : i32 to index
      %parallel_loop3A_233 = tpu.vector_load %arg10[%parallel_loop3A_232] {strides = array<i32>} : memref<4096xf32, #tpu.memory_space<vmem>>, vector<16xf32>,
      tpu.vector_store %arg10[%parallel_loop3A_232], %parallel_loop3A_231 {strides = array<i32>} : memref<4096xf32, #tpu.memory_space<vmem>>, vector<16xf32>,
    } {sc.loop_unroll_factor = 1 : i64, sc.parallel_access}
    %add3A_111 = arith.constant 16384 : i32
    %add3A_112 = arith.addi %mul3A_2, %add3A_111 : i32
    %dma_start3A_113 = tpu.memref_slice %arg4[%add3A_112] : memref<1048576xf32, #tpu.memory_space<hbm>> -> memref<4096xf32, #tpu.memory_space<hbm>>
    %dma_start3A_114 = tpu.memref_slice %arg4[%add3A_112] : memref<1048576xf32, #tpu.memory_space<hbm>> -> memref<4096xf32, #tpu.memory_space<hbm>>
    tpu.enqueue_dma source(%arg10 : memref<4096xf32, #tpu.memory_space<vmem>>) target(%dma_start3A_114 : memref<4096xf32, #tpu.memory_space<hbm>>) target_semaphore(%arg16 : memref<!tpu.dma_semaphore, #tpu.memory_space<semaphore_mem>>)
    %add3A_115 = arith.constant 28672 : i32
    %add3A_116 = arith.addi %mul3A_2, %add3A_115 : i32
    %dma_start3A_117 = arith.constant 0 : i32
    %dma_start3A_118 = tpu.memref_slice %arg2[%dma_start3A_117, %add3A_116] : memref<6x1048576xi32, #tpu.memory_space<hbm>> -> memref<6x4096xi32, #tpu.memory_space<hbm>>
    %dma_start3A_119 = arith.constant 0 : i32
    %dma_start3A_120 = tpu.memref_slice %arg2[%dma_start3A_119, %add3A_116] : memref<6x1048576xi32, #tpu.memory_space<hbm>> -> memref<6x4096xi32, #tpu.memory_space<hbm>>
    tpu.enqueue_dma source(%dma_start3A_120 : memref<6x4096xi32, #tpu.memory_space<hbm>>) target(%arg6 : memref<6x4096xi32, #tpu.memory_space<vmem>>) target_semaphore(%arg13 : memref<!tpu.dma_semaphore, #tpu.memory_space<semaphore_mem>>)
    %add3A_121 = arith.constant 20480 : i32
    %add3A_122 = arith.addi %mul3A_2, %add3A_121 : i32
    %dma_wait3A_123 = arith.constant 0 : i32
    %dma_wait3A_124 = tpu.memref_slice %arg2[%dma_wait3A_123, %add3A_122] : memref<6x1048576xi32, #tpu.memory_space<hbm>> -> memref<6x4096xi32, #tpu.memory_space<hbm>>
    %dma_wait3A_125 = arith.constant 0 : i32
    %dma_wait3A_126 = tpu.memref_slice %arg2[%dma_wait3A_125, %add3A_122] : memref<6x1048576xi32, #tpu.memory_space<hbm>> -> memref<6x4096xi32, #tpu.memory_space<hbm>>
    tpu.wait_dma2 semaphore(%arg14 : memref<!tpu.dma_semaphore, #tpu.memory_space<semaphore_mem>>) src(%dma_wait3A_126 : memref<6x4096xi32, #tpu.memory_space<hbm>>) dst(%arg7 : memref<6x4096xi32, #tpu.memory_space<vmem>>)
    %add3A_127 = arith.constant 8192 : i32
    %add3A_128 = arith.addi %mul3A_2, %add3A_127 : i32
    %dma_wait3A_129 = tpu.memref_slice %arg4[%add3A_128] : memref<1048576xf32, #tpu.memory_space<hbm>> -> memref<4096xf32, #tpu.memory_space<hbm>>
    %dma_wait3A_130 = tpu.memref_slice %arg4[%add3A_128] : memref<1048576xf32, #tpu.memory_space<hbm>> -> memref<4096xf32, #tpu.memory_space<hbm>>
    tpu.wait_dma2 semaphore(%arg17 : memref<!tpu.dma_semaphore, #tpu.memory_space<semaphore_mem>>) src(%arg11 : memref<4096xf32, #tpu.memory_space<vmem>>) dst(%dma_wait3A_130 : memref<4096xf32, #tpu.memory_space<hbm>>)
    %parallel_loop3A_131 = arith.constant 0 : i32
    %parallel_loop3A_132 = arith.constant 256 : i32
    %parallel_loop3A_133 = arith.constant 1 : i32
    scf.for %parallel_loop3A_184 = %parallel_loop3A_131 to %parallel_loop3A_132 step %parallel_loop3A_133  : i32 {
      %parallel_loop3A_185 = arith.constant 16 : i32
      %parallel_loop3A_186 = arith.muli %parallel_loop3A_184, %parallel_loop3A_185 : i32
      %parallel_loop3A_187 = arith.constant 0 : i32
      %parallel_loop3A_188 = arith.index_cast %parallel_loop3A_187 : i32 to index
      %parallel_loop3A_189 = arith.index_cast %parallel_loop3A_186 : i32 to index
      %parallel_loop3A_190 = tpu.vector_load %arg7[%parallel_loop3A_188, %parallel_loop3A_189] {strides = array<i32>} : memref<6x4096xi32, #tpu.memory_space<vmem>>, vector<16xi32>,
      %parallel_loop3A_191 = arith.constant 1 : i32
      %parallel_loop3A_192 = arith.index_cast %parallel_loop3A_191 : i32 to index
      %parallel_loop3A_193 = arith.index_cast %parallel_loop3A_186 : i32 to index
      %parallel_loop3A_194 = tpu.vector_load %arg7[%parallel_loop3A_192, %parallel_loop3A_193] {strides = array<i32>} : memref<6x4096xi32, #tpu.memory_space<vmem>>, vector<16xi32>,
      %parallel_loop3A_195 = arith.constant 2 : i32
      %parallel_loop3A_196 = arith.index_cast %parallel_loop3A_195 : i32 to index
      %parallel_loop3A_197 = arith.index_cast %parallel_loop3A_186 : i32 to index
      %parallel_loop3A_198 = tpu.vector_load %arg7[%parallel_loop3A_196, %parallel_loop3A_197] {strides = array<i32>} : memref<6x4096xi32, #tpu.memory_space<vmem>>, vector<16xi32>,
      %parallel_loop3A_199 = arith.constant 3 : i32
      %parallel_loop3A_200 = arith.index_cast %parallel_loop3A_199 : i32 to index
      %parallel_loop3A_201 = arith.index_cast %parallel_loop3A_186 : i32 to index
      %parallel_loop3A_202 = tpu.vector_load %arg7[%parallel_loop3A_200, %parallel_loop3A_201] {strides = array<i32>} : memref<6x4096xi32, #tpu.memory_space<vmem>>, vector<16xi32>,
      %parallel_loop3A_203 = arith.constant 4 : i32
      %parallel_loop3A_204 = arith.index_cast %parallel_loop3A_203 : i32 to index
      %parallel_loop3A_205 = arith.index_cast %parallel_loop3A_186 : i32 to index
      %parallel_loop3A_206 = tpu.vector_load %arg7[%parallel_loop3A_204, %parallel_loop3A_205] {strides = array<i32>} : memref<6x4096xi32, #tpu.memory_space<vmem>>, vector<16xi32>,
      %parallel_loop3A_207 = arith.constant 5 : i32
      %parallel_loop3A_208 = arith.index_cast %parallel_loop3A_207 : i32 to index
      %parallel_loop3A_209 = arith.index_cast %parallel_loop3A_186 : i32 to index
      %parallel_loop3A_210 = tpu.vector_load %arg7[%parallel_loop3A_208, %parallel_loop3A_209] {strides = array<i32>} : memref<6x4096xi32, #tpu.memory_space<vmem>>, vector<16xi32>,
      %parallel_loop3A_211 = arith.constant 2 : i32
      %parallel_loop3A_212 = vector.broadcast %parallel_loop3A_211 : i32 to vector<16xi32>
      %parallel_loop3A_213 = arith.muli %parallel_loop3A_190, %parallel_loop3A_212 : vector<16xi32>
      %parallel_loop3A_214 = arith.addi %parallel_loop3A_213, %parallel_loop3A_194 : vector<16xi32>
      %parallel_loop3A_215 = arith.constant 2 : i32
      %parallel_loop3A_216 = vector.broadcast %parallel_loop3A_215 : i32 to vector<16xi32>
      %parallel_loop3A_217 = arith.muli %parallel_loop3A_198, %parallel_loop3A_216 : vector<16xi32>
      %parallel_loop3A_218 = arith.addi %parallel_loop3A_217, %parallel_loop3A_202 : vector<16xi32>
      %parallel_loop3A_219 = arith.constant 2 : i32
      %parallel_loop3A_220 = vector.broadcast %parallel_loop3A_219 : i32 to vector<16xi32>
      %parallel_loop3A_221 = arith.muli %parallel_loop3A_206, %parallel_loop3A_220 : vector<16xi32>
      %parallel_loop3A_222 = arith.addi %parallel_loop3A_221, %parallel_loop3A_210 : vector<16xi32>
      %parallel_loop3A_223 = arith.constant 4 : i32
      %parallel_loop3A_224 = vector.broadcast %parallel_loop3A_223 : i32 to vector<16xi32>
      %parallel_loop3A_225 = arith.muli %parallel_loop3A_214, %parallel_loop3A_224 : vector<16xi32>
      %parallel_loop3A_226 = arith.addi %parallel_loop3A_225, %parallel_loop3A_218 : vector<16xi32>
      %parallel_loop3A_227 = arith.constant 4 : i32
      %parallel_loop3A_228 = vector.broadcast %parallel_loop3A_227 : i32 to vector<16xi32>
      %parallel_loop3A_229 = arith.muli %parallel_loop3A_226, %parallel_loop3A_228 : vector<16xi32>
      %parallel_loop3A_230 = arith.addi %parallel_loop3A_229, %parallel_loop3A_222 : vector<16xi32>
      %parallel_loop3A_231 = tpu.vector_load_idx %arg8[%parallel_loop3A_230] : memref<64xf32, #tpu.memory_space<vmem>>[vector<16xi32>], vector<16xf32>,
      %parallel_loop3A_232 = arith.index_cast %parallel_loop3A_186 : i32 to index
      %parallel_loop3A_233 = tpu.vector_load %arg11[%parallel_loop3A_232] {strides = array<i32>} : memref<4096xf32, #tpu.memory_space<vmem>>, vector<16xf32>,
      tpu.vector_store %arg11[%parallel_loop3A_232], %parallel_loop3A_231 {strides = array<i32>} : memref<4096xf32, #tpu.memory_space<vmem>>, vector<16xf32>,
    } {sc.loop_unroll_factor = 1 : i64, sc.parallel_access}
    %add3A_134 = arith.constant 20480 : i32
    %add3A_135 = arith.addi %mul3A_2, %add3A_134 : i32
    %dma_start3A_136 = tpu.memref_slice %arg4[%add3A_135] : memref<1048576xf32, #tpu.memory_space<hbm>> -> memref<4096xf32, #tpu.memory_space<hbm>>
    %dma_start3A_137 = tpu.memref_slice %arg4[%add3A_135] : memref<1048576xf32, #tpu.memory_space<hbm>> -> memref<4096xf32, #tpu.memory_space<hbm>>
    tpu.enqueue_dma source(%arg11 : memref<4096xf32, #tpu.memory_space<vmem>>) target(%dma_start3A_137 : memref<4096xf32, #tpu.memory_space<hbm>>) target_semaphore(%arg17 : memref<!tpu.dma_semaphore, #tpu.memory_space<semaphore_mem>>)
    %add3A_138 = arith.constant 24576 : i32
    %add3A_139 = arith.addi %mul3A_2, %add3A_138 : i32
    %dma_wait3A_140 = arith.constant 0 : i32
    %dma_wait3A_141 = tpu.memref_slice %arg2[%dma_wait3A_140, %add3A_139] : memref<6x1048576xi32, #tpu.memory_space<hbm>> -> memref<6x4096xi32, #tpu.memory_space<hbm>>
    %dma_wait3A_142 = arith.constant 0 : i32
    %dma_wait3A_143 = tpu.memref_slice %arg2[%dma_wait3A_142, %add3A_139] : memref<6x1048576xi32, #tpu.memory_space<hbm>> -> memref<6x4096xi32, #tpu.memory_space<hbm>>
    tpu.wait_dma2 semaphore(%arg12 : memref<!tpu.dma_semaphore, #tpu.memory_space<semaphore_mem>>) src(%dma_wait3A_143 : memref<6x4096xi32, #tpu.memory_space<hbm>>) dst(%arg5 : memref<6x4096xi32, #tpu.memory_space<vmem>>)
    %add3A_144 = arith.constant 12288 : i32
    %add3A_145 = arith.addi %mul3A_2, %add3A_144 : i32
    %dma_wait3A_146 = tpu.memref_slice %arg4[%add3A_145] : memref<1048576xf32, #tpu.memory_space<hbm>> -> memref<4096xf32, #tpu.memory_space<hbm>>
    %dma_wait3A_147 = tpu.memref_slice %arg4[%add3A_145] : memref<1048576xf32, #tpu.memory_space<hbm>> -> memref<4096xf32, #tpu.memory_space<hbm>>
    tpu.wait_dma2 semaphore(%arg15 : memref<!tpu.dma_semaphore, #tpu.memory_space<semaphore_mem>>) src(%arg9 : memref<4096xf32, #tpu.memory_space<vmem>>) dst(%dma_wait3A_147 : memref<4096xf32, #tpu.memory_space<hbm>>)
    %parallel_loop3A_148 = arith.constant 0 : i32
    %parallel_loop3A_149 = arith.constant 256 : i32
    %parallel_loop3A_150 = arith.constant 1 : i32
    scf.for %parallel_loop3A_184 = %parallel_loop3A_148 to %parallel_loop3A_149 step %parallel_loop3A_150  : i32 {
      %parallel_loop3A_185 = arith.constant 16 : i32
      %parallel_loop3A_186 = arith.muli %parallel_loop3A_184, %parallel_loop3A_185 : i32
      %parallel_loop3A_187 = arith.constant 0 : i32
      %parallel_loop3A_188 = arith.index_cast %parallel_loop3A_187 : i32 to index
      %parallel_loop3A_189 = arith.index_cast %parallel_loop3A_186 : i32 to index
      %parallel_loop3A_190 = tpu.vector_load %arg5[%parallel_loop3A_188, %parallel_loop3A_189] {strides = array<i32>} : memref<6x4096xi32, #tpu.memory_space<vmem>>, vector<16xi32>,
      %parallel_loop3A_191 = arith.constant 1 : i32
      %parallel_loop3A_192 = arith.index_cast %parallel_loop3A_191 : i32 to index
      %parallel_loop3A_193 = arith.index_cast %parallel_loop3A_186 : i32 to index
      %parallel_loop3A_194 = tpu.vector_load %arg5[%parallel_loop3A_192, %parallel_loop3A_193] {strides = array<i32>} : memref<6x4096xi32, #tpu.memory_space<vmem>>, vector<16xi32>,
      %parallel_loop3A_195 = arith.constant 2 : i32
      %parallel_loop3A_196 = arith.index_cast %parallel_loop3A_195 : i32 to index
      %parallel_loop3A_197 = arith.index_cast %parallel_loop3A_186 : i32 to index
      %parallel_loop3A_198 = tpu.vector_load %arg5[%parallel_loop3A_196, %parallel_loop3A_197] {strides = array<i32>} : memref<6x4096xi32, #tpu.memory_space<vmem>>, vector<16xi32>,
      %parallel_loop3A_199 = arith.constant 3 : i32
      %parallel_loop3A_200 = arith.index_cast %parallel_loop3A_199 : i32 to index
      %parallel_loop3A_201 = arith.index_cast %parallel_loop3A_186 : i32 to index
      %parallel_loop3A_202 = tpu.vector_load %arg5[%parallel_loop3A_200, %parallel_loop3A_201] {strides = array<i32>} : memref<6x4096xi32, #tpu.memory_space<vmem>>, vector<16xi32>,
      %parallel_loop3A_203 = arith.constant 4 : i32
      %parallel_loop3A_204 = arith.index_cast %parallel_loop3A_203 : i32 to index
      %parallel_loop3A_205 = arith.index_cast %parallel_loop3A_186 : i32 to index
      %parallel_loop3A_206 = tpu.vector_load %arg5[%parallel_loop3A_204, %parallel_loop3A_205] {strides = array<i32>} : memref<6x4096xi32, #tpu.memory_space<vmem>>, vector<16xi32>,
      %parallel_loop3A_207 = arith.constant 5 : i32
      %parallel_loop3A_208 = arith.index_cast %parallel_loop3A_207 : i32 to index
      %parallel_loop3A_209 = arith.index_cast %parallel_loop3A_186 : i32 to index
      %parallel_loop3A_210 = tpu.vector_load %arg5[%parallel_loop3A_208, %parallel_loop3A_209] {strides = array<i32>} : memref<6x4096xi32, #tpu.memory_space<vmem>>, vector<16xi32>,
      %parallel_loop3A_211 = arith.constant 2 : i32
      %parallel_loop3A_212 = vector.broadcast %parallel_loop3A_211 : i32 to vector<16xi32>
      %parallel_loop3A_213 = arith.muli %parallel_loop3A_190, %parallel_loop3A_212 : vector<16xi32>
      %parallel_loop3A_214 = arith.addi %parallel_loop3A_213, %parallel_loop3A_194 : vector<16xi32>
      %parallel_loop3A_215 = arith.constant 2 : i32
      %parallel_loop3A_216 = vector.broadcast %parallel_loop3A_215 : i32 to vector<16xi32>
      %parallel_loop3A_217 = arith.muli %parallel_loop3A_198, %parallel_loop3A_216 : vector<16xi32>
      %parallel_loop3A_218 = arith.addi %parallel_loop3A_217, %parallel_loop3A_202 : vector<16xi32>
      %parallel_loop3A_219 = arith.constant 2 : i32
      %parallel_loop3A_220 = vector.broadcast %parallel_loop3A_219 : i32 to vector<16xi32>
      %parallel_loop3A_221 = arith.muli %parallel_loop3A_206, %parallel_loop3A_220 : vector<16xi32>
      %parallel_loop3A_222 = arith.addi %parallel_loop3A_221, %parallel_loop3A_210 : vector<16xi32>
      %parallel_loop3A_223 = arith.constant 4 : i32
      %parallel_loop3A_224 = vector.broadcast %parallel_loop3A_223 : i32 to vector<16xi32>
      %parallel_loop3A_225 = arith.muli %parallel_loop3A_214, %parallel_loop3A_224 : vector<16xi32>
      %parallel_loop3A_226 = arith.addi %parallel_loop3A_225, %parallel_loop3A_218 : vector<16xi32>
      %parallel_loop3A_227 = arith.constant 4 : i32
      %parallel_loop3A_228 = vector.broadcast %parallel_loop3A_227 : i32 to vector<16xi32>
      %parallel_loop3A_229 = arith.muli %parallel_loop3A_226, %parallel_loop3A_228 : vector<16xi32>
      %parallel_loop3A_230 = arith.addi %parallel_loop3A_229, %parallel_loop3A_222 : vector<16xi32>
      %parallel_loop3A_231 = tpu.vector_load_idx %arg8[%parallel_loop3A_230] : memref<64xf32, #tpu.memory_space<vmem>>[vector<16xi32>], vector<16xf32>,
      %parallel_loop3A_232 = arith.index_cast %parallel_loop3A_186 : i32 to index
      %parallel_loop3A_233 = tpu.vector_load %arg9[%parallel_loop3A_232] {strides = array<i32>} : memref<4096xf32, #tpu.memory_space<vmem>>, vector<16xf32>,
      tpu.vector_store %arg9[%parallel_loop3A_232], %parallel_loop3A_231 {strides = array<i32>} : memref<4096xf32, #tpu.memory_space<vmem>>, vector<16xf32>,
    } {sc.loop_unroll_factor = 1 : i64, sc.parallel_access}
    %add3A_151 = arith.constant 24576 : i32
    %add3A_152 = arith.addi %mul3A_2, %add3A_151 : i32
    %dma_start3A_153 = tpu.memref_slice %arg4[%add3A_152] : memref<1048576xf32, #tpu.memory_space<hbm>> -> memref<4096xf32, #tpu.memory_space<hbm>>
    %dma_start3A_154 = tpu.memref_slice %arg4[%add3A_152] : memref<1048576xf32, #tpu.memory_space<hbm>> -> memref<4096xf32, #tpu.memory_space<hbm>>
    tpu.enqueue_dma source(%arg9 : memref<4096xf32, #tpu.memory_space<vmem>>) target(%dma_start3A_154 : memref<4096xf32, #tpu.memory_space<hbm>>) target_semaphore(%arg15 : memref<!tpu.dma_semaphore, #tpu.memory_space<semaphore_mem>>)
    %add3A_155 = arith.constant 28672 : i32
    %add3A_156 = arith.addi %mul3A_2, %add3A_155 : i32
    %dma_wait3A_157 = arith.constant 0 : i32
    %dma_wait3A_158 = tpu.memref_slice %arg2[%dma_wait3A_157, %add3A_156] : memref<6x1048576xi32, #tpu.memory_space<hbm>> -> memref<6x4096xi32, #tpu.memory_space<hbm>>
    %dma_wait3A_159 = arith.constant 0 : i32
    %dma_wait3A_160 = tpu.memref_slice %arg2[%dma_wait3A_159, %add3A_156] : memref<6x1048576xi32, #tpu.memory_space<hbm>> -> memref<6x4096xi32, #tpu.memory_space<hbm>>
    tpu.wait_dma2 semaphore(%arg13 : memref<!tpu.dma_semaphore, #tpu.memory_space<semaphore_mem>>) src(%dma_wait3A_160 : memref<6x4096xi32, #tpu.memory_space<hbm>>) dst(%arg6 : memref<6x4096xi32, #tpu.memory_space<vmem>>)
    %add3A_161 = arith.constant 16384 : i32
    %add3A_162 = arith.addi %mul3A_2, %add3A_161 : i32
    %dma_wait3A_163 = tpu.memref_slice %arg4[%add3A_162] : memref<1048576xf32, #tpu.memory_space<hbm>> -> memref<4096xf32, #tpu.memory_space<hbm>>
    %dma_wait3A_164 = tpu.memref_slice %arg4[%add3A_162] : memref<1048576xf32, #tpu.memory_space<hbm>> -> memref<4096xf32, #tpu.memory_space<hbm>>
    tpu.wait_dma2 semaphore(%arg16 : memref<!tpu.dma_semaphore, #tpu.memory_space<semaphore_mem>>) src(%arg10 : memref<4096xf32, #tpu.memory_space<vmem>>) dst(%dma_wait3A_164 : memref<4096xf32, #tpu.memory_space<hbm>>)
    %parallel_loop3A_165 = arith.constant 0 : i32
    %parallel_loop3A_166 = arith.constant 256 : i32
    %parallel_loop3A_167 = arith.constant 1 : i32
    scf.for %parallel_loop3A_184 = %parallel_loop3A_165 to %parallel_loop3A_166 step %parallel_loop3A_167  : i32 {
      %parallel_loop3A_185 = arith.constant 16 : i32
      %parallel_loop3A_186 = arith.muli %parallel_loop3A_184, %parallel_loop3A_185 : i32
      %parallel_loop3A_187 = arith.constant 0 : i32
      %parallel_loop3A_188 = arith.index_cast %parallel_loop3A_187 : i32 to index
      %parallel_loop3A_189 = arith.index_cast %parallel_loop3A_186 : i32 to index
      %parallel_loop3A_190 = tpu.vector_load %arg6[%parallel_loop3A_188, %parallel_loop3A_189] {strides = array<i32>} : memref<6x4096xi32, #tpu.memory_space<vmem>>, vector<16xi32>,
      %parallel_loop3A_191 = arith.constant 1 : i32
      %parallel_loop3A_192 = arith.index_cast %parallel_loop3A_191 : i32 to index
      %parallel_loop3A_193 = arith.index_cast %parallel_loop3A_186 : i32 to index
      %parallel_loop3A_194 = tpu.vector_load %arg6[%parallel_loop3A_192, %parallel_loop3A_193] {strides = array<i32>} : memref<6x4096xi32, #tpu.memory_space<vmem>>, vector<16xi32>,
      %parallel_loop3A_195 = arith.constant 2 : i32
      %parallel_loop3A_196 = arith.index_cast %parallel_loop3A_195 : i32 to index
      %parallel_loop3A_197 = arith.index_cast %parallel_loop3A_186 : i32 to index
      %parallel_loop3A_198 = tpu.vector_load %arg6[%parallel_loop3A_196, %parallel_loop3A_197] {strides = array<i32>} : memref<6x4096xi32, #tpu.memory_space<vmem>>, vector<16xi32>,
      %parallel_loop3A_199 = arith.constant 3 : i32
      %parallel_loop3A_200 = arith.index_cast %parallel_loop3A_199 : i32 to index
      %parallel_loop3A_201 = arith.index_cast %parallel_loop3A_186 : i32 to index
      %parallel_loop3A_202 = tpu.vector_load %arg6[%parallel_loop3A_200, %parallel_loop3A_201] {strides = array<i32>} : memref<6x4096xi32, #tpu.memory_space<vmem>>, vector<16xi32>,
      %parallel_loop3A_203 = arith.constant 4 : i32
      %parallel_loop3A_204 = arith.index_cast %parallel_loop3A_203 : i32 to index
      %parallel_loop3A_205 = arith.index_cast %parallel_loop3A_186 : i32 to index
      %parallel_loop3A_206 = tpu.vector_load %arg6[%parallel_loop3A_204, %parallel_loop3A_205] {strides = array<i32>} : memref<6x4096xi32, #tpu.memory_space<vmem>>, vector<16xi32>,
      %parallel_loop3A_207 = arith.constant 5 : i32
      %parallel_loop3A_208 = arith.index_cast %parallel_loop3A_207 : i32 to index
      %parallel_loop3A_209 = arith.index_cast %parallel_loop3A_186 : i32 to index
      %parallel_loop3A_210 = tpu.vector_load %arg6[%parallel_loop3A_208, %parallel_loop3A_209] {strides = array<i32>} : memref<6x4096xi32, #tpu.memory_space<vmem>>, vector<16xi32>,
      %parallel_loop3A_211 = arith.constant 2 : i32
      %parallel_loop3A_212 = vector.broadcast %parallel_loop3A_211 : i32 to vector<16xi32>
      %parallel_loop3A_213 = arith.muli %parallel_loop3A_190, %parallel_loop3A_212 : vector<16xi32>
      %parallel_loop3A_214 = arith.addi %parallel_loop3A_213, %parallel_loop3A_194 : vector<16xi32>
      %parallel_loop3A_215 = arith.constant 2 : i32
      %parallel_loop3A_216 = vector.broadcast %parallel_loop3A_215 : i32 to vector<16xi32>
      %parallel_loop3A_217 = arith.muli %parallel_loop3A_198, %parallel_loop3A_216 : vector<16xi32>
      %parallel_loop3A_218 = arith.addi %parallel_loop3A_217, %parallel_loop3A_202 : vector<16xi32>
      %parallel_loop3A_219 = arith.constant 2 : i32
      %parallel_loop3A_220 = vector.broadcast %parallel_loop3A_219 : i32 to vector<16xi32>
      %parallel_loop3A_221 = arith.muli %parallel_loop3A_206, %parallel_loop3A_220 : vector<16xi32>
      %parallel_loop3A_222 = arith.addi %parallel_loop3A_221, %parallel_loop3A_210 : vector<16xi32>
      %parallel_loop3A_223 = arith.constant 4 : i32
      %parallel_loop3A_224 = vector.broadcast %parallel_loop3A_223 : i32 to vector<16xi32>
      %parallel_loop3A_225 = arith.muli %parallel_loop3A_214, %parallel_loop3A_224 : vector<16xi32>
      %parallel_loop3A_226 = arith.addi %parallel_loop3A_225, %parallel_loop3A_218 : vector<16xi32>
      %parallel_loop3A_227 = arith.constant 4 : i32
      %parallel_loop3A_228 = vector.broadcast %parallel_loop3A_227 : i32 to vector<16xi32>
      %parallel_loop3A_229 = arith.muli %parallel_loop3A_226, %parallel_loop3A_228 : vector<16xi32>
      %parallel_loop3A_230 = arith.addi %parallel_loop3A_229, %parallel_loop3A_222 : vector<16xi32>
      %parallel_loop3A_231 = tpu.vector_load_idx %arg8[%parallel_loop3A_230] : memref<64xf32, #tpu.memory_space<vmem>>[vector<16xi32>], vector<16xf32>,
      %parallel_loop3A_232 = arith.index_cast %parallel_loop3A_186 : i32 to index
      %parallel_loop3A_233 = tpu.vector_load %arg10[%parallel_loop3A_232] {strides = array<i32>} : memref<4096xf32, #tpu.memory_space<vmem>>, vector<16xf32>,
      tpu.vector_store %arg10[%parallel_loop3A_232], %parallel_loop3A_231 {strides = array<i32>} : memref<4096xf32, #tpu.memory_space<vmem>>, vector<16xf32>,
    } {sc.loop_unroll_factor = 1 : i64, sc.parallel_access}
    %add3A_168 = arith.constant 28672 : i32
    %add3A_169 = arith.addi %mul3A_2, %add3A_168 : i32
    %dma_start3A_170 = tpu.memref_slice %arg4[%add3A_169] : memref<1048576xf32, #tpu.memory_space<hbm>> -> memref<4096xf32, #tpu.memory_space<hbm>>
    %dma_start3A_171 = tpu.memref_slice %arg4[%add3A_169] : memref<1048576xf32, #tpu.memory_space<hbm>> -> memref<4096xf32, #tpu.memory_space<hbm>>
    tpu.enqueue_dma source(%arg10 : memref<4096xf32, #tpu.memory_space<vmem>>) target(%dma_start3A_171 : memref<4096xf32, #tpu.memory_space<hbm>>) target_semaphore(%arg16 : memref<!tpu.dma_semaphore, #tpu.memory_space<semaphore_mem>>)
    %add3A_172 = arith.constant 20480 : i32
    %add3A_173 = arith.addi %mul3A_2, %add3A_172 : i32
    %dma_wait3A_174 = tpu.memref_slice %arg4[%add3A_173] : memref<1048576xf32, #tpu.memory_space<hbm>> -> memref<4096xf32, #tpu.memory_space<hbm>>
    %dma_wait3A_175 = tpu.memref_slice %arg4[%add3A_173] : memref<1048576xf32, #tpu.memory_space<hbm>> -> memref<4096xf32, #tpu.memory_space<hbm>>
    tpu.wait_dma2 semaphore(%arg17 : memref<!tpu.dma_semaphore, #tpu.memory_space<semaphore_mem>>) src(%arg11 : memref<4096xf32, #tpu.memory_space<vmem>>) dst(%dma_wait3A_175 : memref<4096xf32, #tpu.memory_space<hbm>>)
    %add3A_176 = arith.constant 24576 : i32
    %add3A_177 = arith.addi %mul3A_2, %add3A_176 : i32
    %dma_wait3A_178 = tpu.memref_slice %arg4[%add3A_177] : memref<1048576xf32, #tpu.memory_space<hbm>> -> memref<4096xf32, #tpu.memory_space<hbm>>
    %dma_wait3A_179 = tpu.memref_slice %arg4[%add3A_177] : memref<1048576xf32, #tpu.memory_space<hbm>> -> memref<4096xf32, #tpu.memory_space<hbm>>
    tpu.wait_dma2 semaphore(%arg15 : memref<!tpu.dma_semaphore, #tpu.memory_space<semaphore_mem>>) src(%arg9 : memref<4096xf32, #tpu.memory_space<vmem>>) dst(%dma_wait3A_179 : memref<4096xf32, #tpu.memory_space<hbm>>)
    %add3A_180 = arith.constant 28672 : i32
    %add3A_181 = arith.addi %mul3A_2, %add3A_180 : i32
    %dma_wait3A_182 = tpu.memref_slice %arg4[%add3A_181] : memref<1048576xf32, #tpu.memory_space<hbm>> -> memref<4096xf32, #tpu.memory_space<hbm>>
    %dma_wait3A_183 = tpu.memref_slice %arg4[%add3A_181] : memref<1048576xf32, #tpu.memory_space<hbm>> -> memref<4096xf32, #tpu.memory_space<hbm>>
    tpu.wait_dma2 semaphore(%arg16 : memref<!tpu.dma_semaphore, #tpu.memory_space<semaphore_mem>>) src(%arg10 : memref<4096xf32, #tpu.memory_space<vmem>>) dst(%dma_wait3A_183 : memref<4096xf32, #tpu.memory_space<hbm>>)
    return
  }
}

</mosaic_0001>

<sc_bundles>
// kernel: kernel.3.cloned.1.call-start
scs
__scs_entry_jumppad:
0x0: {  	(pc) =	sbr.rel $0x88, $3  }
0x1: {  	(tag) =	ssettag $0x0;
	lr =	simm.s32 $0x1  }
0x2: {  	[smem:$0x3F9F] =	sst lr;
	_ =	strace $0xD0000000  }
0x3: {  	_ = 	snop  }
0x4: {  	_ = 	snop  }
0x5: {  	_ = 	snop  }
0x6: {  	_ = 	snop  }
0x7: {  	_ = 	snop  }
__scs_overlays_trampoline_lowered:
0x8: {  	[smem:$0x3FAE] =	sst s0  }
0x9: {  	[smem:$0x3FAF] =	sst s1  }
0xa: {  	[smem:$0x3FB0] =	sst s2  }
0xb: {  	[smem:$0x3FB1] =	sst s3  }
0xc: {  	[smem:$0x3FB2] =	sst s4  }
0xd: {  	[smem:$0x3FB3] =	sst s5  }
0xe: {  	[smem:$0x3FB4] =	sst s6  }
0xf: {  	[smem:$0x3FB5] =	sst s7  }
0x10: {  	[smem:$0x3FB6] =	sst s8  }
0x11: {  	[smem:$0x3FB7] =	sst s9;
	s0 =	simm.s32 @!p0 $0x0  }
0x12: {  	s1 =	sld [smem:$0x3F9D];
	s0 =	simm.s32 @p0 $0x1  }
0x13: {  	[smem:$0x3FB8] =	sst s0;
	s0 =	simm.s32 @!p1 $0x0  }
0x14: {  	s2 =	sld [smem:$0x3F9C];
	s0 =	simm.s32 @p1 $0x1  }
0x15: {  	[smem:$0x3FB9] =	sst s0;
	s0 =	simm.s32 @!p2 $0x0  }
0x16: {  	s3 =	sld [smem:$0x3FDB];
	s0 =	simm.s32 @p2 $0x1  }
0x17: {  	s4 =	simm.s32 $0x1BF5;
	[smem:$0x3FBB] =	sst s0  }
0x18: {  	s0 =	sld [smem:$0x3F9E];
	_ =	swait.ge [sflag:s4], $0x0  }
0x19: {  	s7 =	sld [smem:$0x3F9F]  }
0x1a: {  	s8 =	sadd.s32 $0xFFFFE003, lr  }
0x1b: {  	s9 =	sadd.s32 $0xFFFFFEF7, lr;
	s5 =	simm.s32 $0xFFFFFFFF;
	p2 =	slt.u32 s8, $0xFFFFF086  }
0x1c: {  	p1 =	slt.u32 s9, $0xF7A;
	s5 =	simm.s32 @!p2 $0x0  }
0x1d: {  	s5 =	simm.s32 @p1 $0x1;
	p0 =	seq.s32 s7, s2  }
0x1e: {  	s7 =	smul.u32 @!p0 $0xF7A, s2;
	p2 =	seq.s32 @!p0 s5, $0x0  }
0x1f: {  	s9 =	smul.u32 $0xF7A, s1;
	s8 =	simm.s32 @!p0 $0x1BF5;
	p2 =	por !p2, p0  }
0x20: {  	[sflag:s8] =	ssyncset.s32 @!p0 $0xFFFFF086;
	s6 =	sadd.s32 @!p0 s3, s7;
	s7 =	simm.s32 @!p0 $0x108  }
0x21: {  	s3 =	sadd.s32 s3, s9;
	s6 =	sadd.s32 @!p0 $0x88, s6;
	s7 =	simm.s32 @p2 $0x1082  }
0x22: {  	[simem:s7], [sflag:s8] =	dma.local @!p0 [hbm:s6], $0xF7A  }
0x23: {  	s9 =	sor.u32 $0xD0000000, s2;
	s6 =	simm.s32 $0x108;
	_ =	swait.ge @!p0 [sflag:s8], $0x0  }
0x24: {  	s3 =	sadd.s32 $0x88, s3;
	s6 =	simm.s32 @!p1 $0x1082;
	[sflag:s4] =	ssyncset.s32 $0xFFFFF086  }
0x25: {  	[simem:s6], [sflag:s4] =	dma.local [hbm:s3], $0xF7A  }
0x26: {  	[smem:$0x3F9F] =	sst s1;
	(tag) =	ssettag s2;
	_ =	strace s9  }
0x27: {  	s1 =	sld [smem:$0x3FAF]  }
0x28: {  	s2 =	sld [smem:$0x3FB0]  }
0x29: {  	s4 =	sld [smem:$0x3FB2]  }
0x2a: {  	p0 =	seq.s32 s5, $0x0;
	s5 =	sld [smem:$0x3FB3]  }
0x2b: {  	s6 =	sld [smem:$0x3FB4]  }
0x2c: {  	s7 =	sld [smem:$0x3FB5]  }
0x2d: {  	s3 =	simm.s32 $0x108;
	s8 =	sld [smem:$0x3FB6]  }
0x2e: {  	s3 =	simm.s32 @!p0 $0x1082;
	s9 =	sld [smem:$0x3FB7]  }
0x2f: {  	lr =	sadd.s32 s0, s3;
	s0 =	sld [smem:$0x3FAE]  }
0x30: {  	s3 =	sld [smem:$0x3FB1]  }
0x31: {  	[smem:$0x3FBA] =	sst s10  }
0x32: {  	s10 =	sld [smem:$0x3FB8];
	_ =	sdelay $0x3  }
0x33: {  	p0 =	seq.s32 s10, $0x1;
	s10 =	sld [smem:$0x3FBA];
	_ =	sdelay $0x3  }
0x34: {  	[smem:$0x3FBA] =	sst s10  }
0x35: {  	s10 =	sld [smem:$0x3FB9];
	_ =	sdelay $0x3  }
0x36: {  	p1 =	seq.s32 s10, $0x1;
	s10 =	sld [smem:$0x3FBA];
	_ =	sdelay $0x3  }
0x37: {  	[smem:$0x3FBA] =	sst s10  }
0x38: {  	s10 =	sld [smem:$0x3FBB]  }
0x39: {  	_ = 	snop;
	(pc) =	sbr.ind lr, $3  }
0x3a: {  	_ = 	snop  }
0x3b: {  	_ = 	snop  }
0x3c: {  	p2 =	seq.s32 s10, $0x1;
	s10 =	sld [smem:$0x3FBA]  }
0x3d: {  	_ =	shalt  }
0x3e: {  	_ =	shalt  }
0x3f: {  	_ =	shalt  }
0x40: {  	_ =	shalt  }
0x41: {  	_ =	shalt  }
0x42: {  	_ =	shalt  }
0x43: {  	_ =	shalt  }
0x44: {  	_ =	shalt  }
0x45: {  	_ =	shalt  }
0x46: {  	_ =	shalt  }
0x47: {  	_ =	shalt  }
0x48: {  	_ =	shalt  }
0x49: {  	_ =	shalt  }
0x4a: {  	_ =	shalt  }
0x4b: {  	_ =	shalt  }
0x4c: {  	_ =	shalt  }
0x4d: {  	_ =	shalt  }
0x4e: {  	_ =	shalt  }
0x4f: {  	_ =	shalt  }
0x50: {  	_ =	shalt  }
0x51: {  	_ =	shalt  }
0x52: {  	_ =	shalt  }
0x53: {  	_ =	shalt  }
0x54: {  	_ =	shalt  }
0x55: {  	_ =	shalt  }
0x56: {  	_ =	shalt  }
0x57: {  	_ =	shalt  }
0x58: {  	_ =	shalt  }
0x59: {  	_ =	shalt  }
0x5a: {  	_ =	shalt  }
0x5b: {  	_ =	shalt  }
0x5c: {  	_ =	shalt  }
0x5d: {  	_ =	shalt  }
0x5e: {  	_ =	shalt  }
0x5f: {  	_ =	shalt  }
0x60: {  	_ =	shalt  }
0x61: {  	_ =	shalt  }
0x62: {  	_ =	shalt  }
0x63: {  	_ =	shalt  }
0x64: {  	_ =	shalt  }
0x65: {  	_ =	shalt  }
0x66: {  	_ =	shalt  }
0x67: {  	_ =	shalt  }
0x68: {  	_ =	shalt  }
0x69: {  	_ =	shalt  }
0x6a: {  	_ =	shalt  }
0x6b: {  	_ =	shalt  }
0x6c: {  	_ =	shalt  }
0x6d: {  	_ =	shalt  }
0x6e: {  	_ =	shalt  }
0x6f: {  	_ =	shalt  }
0x70: {  	_ =	shalt  }
0x71: {  	_ =	shalt  }
0x72: {  	_ =	shalt  }
0x73: {  	_ =	shalt  }
0x74: {  	_ =	shalt  }
0x75: {  	_ =	shalt  }
0x76: {  	_ =	shalt  }
0x77: {  	_ =	shalt  }
0x78: {  	_ =	shalt  }
0x79: {  	_ =	shalt  }
0x7a: {  	_ =	shalt  }
0x7b: {  	_ =	shalt  }
0x7c: {  	_ =	shalt  }
0x7d: {  	_ =	shalt  }
0x7e: {  	_ =	shalt  }
0x7f: {  	_ =	shalt  }
0x80: {  	_ =	shalt  }
0x81: {  	_ =	shalt  }
0x82: {  	_ =	shalt  }
0x83: {  	_ =	shalt  }
0x84: {  	_ =	shalt  }
0x85: {  	_ =	shalt  }
0x86: {  	_ =	shalt  }
0x87: {  	_ =	shalt  }
.Lfunc_end0:
.L_simem_size_0:
called_computation_lowered:
.L_overlay_start_0:
0x88: {  	s2 =	sld [smem:$0x3FD9]  }
0x89: {  	s3 =	sld [smem:$0x3FFE];
	_ =	sdelay $0x1  }
0x8a: {  	s1 =	srdreg.scid  }
0x8b: {  	s0 =	sand.u32 $0x1, s1  }
0x8c: {  	s18 =	sshll.u32 s0, $0xA;
	s2 =	sadd.s32 s3, s2  }
0x8d: {  	s2 =	sadd.s32 s2, s18  }
0x8e: {  	[smem:$0x3FC6] =	sst s2  }
0x8f: {  	_ = 	snop  }
0x90: {  	s2 =	sld [smem:$0x3FC9]  }
0x91: {  	s19 =	sld [smem:$0x3FC8]  }
0x92: {  	s4 =	sld [smem:$0x3FD0];
	(tm) =	ssettm $0x1  }
0x93: {  	s5 =	sld [smem:$0x3FFB];
	_ =	sdelay $0x3  }
0x94: {  	_ =	strace s5  }
0x95: {  	s5 =	sld [smem:$0x3FFC];
	_ =	sdelay $0x3  }
0x96: {  	_ =	strace s5  }
0x97: {  	s5 =	sld [smem:$0x3FFD];
	_ =	sdelay $0x3  }
0x98: {  	_ =	strace s5  }
0x99: {  	_ =	strace $0x8FFFFFFF  }
0x9a: {  	s20 =	sld [smem:$0x3FDB];
	_ =	sdelay $0x1  }
0x9b: {  	s6 =	simm.s32 $_scs_section_size  }
0x9c: {  	s7 =	simm.s32 $_size__tile_overlayer_lowered;
	s8 =	simm.s32 $_tile_overlayer_lowered  }
0x9d: {  	s23 =	simm.s32 $0x1BFF;
	s22 =	sshll.u32 s8, $0x1;
	s5 =	sadd.s32 s6, s20  }
0x9e: {  	s9 =	simm.s32 $0x0;
	s21 =	sshll.u32 s7, $0x1;
	s7 =	sadd.s32 s22, s5  }
0x9f: {  	[timem:s9], [sflag:s23] =	dma.local [hbm:s7], s21  }
0xa0: {  	_ =	swait.ge [sflag:s23], s21  }
0xa1: {  	s6 =	ssub.s32 $0x0, s21;
	[sflag:s23] =	ssyncset.done $0x0  }
0xa2: {  	[sflag:s23] =	ssyncadd.s32 s6;
	_ =	sdelay $0x1  }
0xa3: {  	s24 =	simm.s32 $0x1B8B  }
0xa4: {  	_ =	swait.ge [sflag:s24], $0x1  }
0xa5: {  	[sflag:s24] =	ssyncset.done $0x0  }
0xa6: {  	s25 =	simm.s32 $0x1B8E;
	[sflag:s24] =	ssyncadd.s32 $0xFFFFFFFF  }
0xa7: {  	s26 =	simm.s32 $execute0_lowered;
	[smem:$0x3FD2] =	sst s25  }
0xa8: {  	s6 =	sshll.u32 s26, $0x1;
	_ =	strace $0x80000046;
	[dreg:$0x1] =	wrdreg $0xFFFFFFFF  }
0xa9: {  	s28 =	simm.s32 $_size_execute0_lowered;
	s5 =	sadd.s32 s5, s6;
	[dreg:$0x0] =	wrdreg $0x0  }
0xaa: {  	s6 =	sshll.u32 s28, $0x1;
	[dreg:$0x2] =	wrdreg s5  }
0xab: {  	[dreg:$0x3] =	wrdreg s6  }
0xac: {  	[dreg:$0x4] =	wrdreg $0xC0  }
0xad: {  	_ =	task [dreg:s9], $0x5FFFF  }
0xae: {  	[dreg:$0x1] =	wrdreg $0xFFFFFFFF  }
0xaf: {  	[dreg:$0x0] =	wrdreg $0x60  }
0xb0: {  	[dreg:$0x2] =	wrdreg s2  }
0xb1: {  	[dreg:$0x3] =	wrdreg s19  }
0xb2: {  	[dreg:$0x4] =	wrdreg s4  }
0xb3: {  	[dreg:$0x5] =	wrdreg $0x9  }
0xb4: {  	_ =	task.clear_ibuf [dreg:s9], $0x6FFFF;
	_ =	strace $0x90000046  }
0xb5: {  	s29 =	simm.s32 $0x9;
	_ =	strace $0x80000048  }
0xb6: {  	_ =	swait.ge [sflag:s29], $0x1  }
0xb7: {  	[sflag:s29] =	ssyncadd.s32 $0xFFFFFFFF  }
0xb8: {  	_ =	strace $0x90000048  }
0xb9: {  	_ =	sfence  }
0xba: {  	s30 =	sld [smem:$0x0];
	_ =	sdelay $0x2  }
0xbb: {  	s31 =	sshll.u32 s1, $0xD;
	s1 =	sshrl.u32 s1, $0x2  }
0xbc: {  	s3 =	sand.u32 $0x4000, s31;
	s1 =	sadd.s32 s1, s30  }
0xbd: {  	s0 =	sor.u32 s3, s0;
	s1 =	sshll.u32 s1, $0x11  }
0xbe: {  	s0 =	sor.u32 s1, s0  }
0xbf: {  	s0 =	sadd.s32 $0x8F2B, s0  }
0xc0: {  	[sflag:s0] =	ssyncadd.remote.s32 $0x1  }
0xc1: {  	_ =	sfence.sel $0xFFFF  }
0xc2: {  	[dreg:$0x0] =	wrdreg $0xFFFFFFFF;
	(pc) =	sbr.abs _section_cstart, $3  }
0xc3: {  	[dreg:$0x1] =	wrdreg $0xFFFFFFFF  }
0xc4: {  	_ =	task.clear_ibuf [dreg:s9], $0x2FFFF;
	_ =	strace $0x9FFFFFFF  }
0xc5: {  	(tm) =	ssettm $0x7FFFFFFF  }
tec
execute0_lowered:
.L_overlay_start_1:
0x0: {  	(tag) =	ssettag $0x1  }
0x1: {  	s0 =	rddreg [dreg:$0x0]  }
0x2: {  	s1 =	srdreg.scid;
	s3 =	stileid.u32  }
0x3: {  	s2 =	rddreg [dreg:$0x2];
	s28 =	simm.s32 $0x2;
	s29 =	simm.s32 $0x19080  }
0x4: {  	s30 =	simm.s32 $0x3;
	s31 =	simm.s32 $0x1A080;
	s1 =	sand.u32 $0x1, s1  }
0x5: {  	s3 =	sshll.u32 s3, $0x10;
	s4 =	sshll.u32 s1, $0xF;
	s1 =	ssub.s32 $0x2, s1  }
0x6: {  	s4 =	sor.u32 s4, s3;
	s3 =	simm.s32 $0x0;
	s6 =	sshrl.u32 s1, $0x1  }
0x7: {  	s5 =	sshrl.u32 s4, $0x7;
	[smem:$0x7FF] =	sst s3;
	s1 =	ssub.s32 s1, s6  }
0x8: {  	s8 =	sadd.s32 s0, s4;
	s4 =	sshrl.u32 s4, $0x3;
	s7 =	sor.u32 $0x20, s5  }
0x9: {  	_ =	strace $0x80000047;
	[dreg:$0x4] =	wrdreg s8;
	s14 =	sor.u32 $0x40, s5  }
0xa: {  	s4 =	sadd.s32 s2, s4;
	s18 =	sor.u32 $0x80, s5;
	s20 =	sor.u32 $0xA0, s5  }
0xb: {  	s24 =	sor.u32 $0xC0, s5;
	s13 =	sshll.u32 s7, $0x7;
	s15 =	sshll.u32 s14, $0x7  }
0xc: {  	[dreg:$0x7] =	wrdreg s4;
	s17 =	sshll.u32 s7, $0x4;
	s19 =	sshll.u32 s18, $0x7  }
0xd: {  	s21 =	sshll.u32 s14, $0x4;
	s22 =	sshll.u32 s20, $0x7;
	s25 =	sshll.u32 s24, $0x7  }
0xe: {  	s7 =	sshll.u32 s18, $0x4;
	s26 =	sshll.u32 s20, $0x4;
	s20 =	smax.u32 s1, $0x1  }
0xf: {  	s1 =	simm.s32 $0x4;
	s6 =	sadd.s32 s0, s13;
	s13 =	sor.u32 $0x60, s5  }
0x10: {  	s8 =	sadd.s32 s0, s15;
	s11 =	sadd.s32 s2, s21;
	s12 =	sadd.s32 s0, s22  }
0x11: {  	s5 =	sor.u32 $0xE0, s5;
	s14 =	sadd.s32 s0, s25;
	s15 =	sadd.s32 s2, s7  }
0x12: {  	s21 =	simm.s32 $0x8000;
	s22 =	simm.s32 $0x10000;
	s25 =	simm.s32 $0x1  }
0x13: {  	[dreg:$0x5] =	wrdreg s6;
	s16 =	sshll.u32 s13, $0x7;
	s23 =	sshll.u32 s13, $0x4  }
0x14: {  	[dreg:$0x6] =	wrdreg s8;
	s4 =	sadd.s32 s0, s16;
	s13 =	sadd.s32 s2, s23  }
0x15: {  	s16 =	sshll.u32 s5, $0x7;
	s5 =	sshll.u32 s5, $0x4;
	s23 =	simm.s32 $0x18000  }
0x16: {  	[dreg:$0x8] =	wrdreg s4;
	s4 =	sadd.s32 s2, s17;
	s16 =	sadd.s32 s0, s16  }
0x17: {  	s17 =	sadd.s32 s2, s26;
	s26 =	simm.s32 $0x18080;
	[dreg:$0x9] =	wrdreg s4  }
0x18: {  	s4 =	sadd.s32 s0, s19;
	s19 =	sadd.s32 s2, s5;
	s0 =	simm.s32 $0x5  }
0x19: {  	[dreg:$0xa] =	wrdreg s4;
	s4 =	sshll.u32 s24, $0x4;
	s24 =	simm.s32 $0x7  }
0x1a: {  	s18 =	sadd.s32 s2, s4;
	s2 =	simm.s32 $0x6;
	s4 =	simm.s32 $0x0  }
.LBB2_1:
0x1b: {  	s5 =	rddreg [dreg:$0x4]  }
0x1c: {  	[tilespmem:s3], [sflag:$0x1] =	stream.linear.gather [hbm4b:s5+s3], $0x8000, $0x38;
	[tilespmem:$0x1B080] =	vst v63  }
0x1d: {  	s6 =	rddreg [dreg:$0x5]  }
0x1e: {  	[tilespmem:s21], [sflag:$0x2] =	stream.linear.gather [hbm4b:s6+s3], $0x8000, $0x38;
	[tilespmem:$0x1B080] =	vst v63  }
0x1f: {  	s7 =	rddreg [dreg:$0x6]  }
0x20: {  	[tilespmem:s22], [sflag:$0x3] =	stream.linear.gather [hbm4b:s7+s3], $0x8000, $0x38;
	[tilespmem:$0x1B080] =	vst v63  }
0x21: {  	s8 =	rddreg [dreg:$0x1]  }
0x22: {  	[tilespmem:s23], [sflag:$0x7] =	stream.linear.gather [hbm4b:s8+s3], $0x80, $0x38;
	[tilespmem:$0x1B080] =	vst v63  }
0x23: {  	_ =	swait.ge [sflag:s24], $0x80  }
0x24: {  	[sflag:s24] =	ssyncset.done $0x0  }
0x25: {  	[sflag:s24] =	ssyncadd.s32 $0xFFFFFF80  }
0x26: {  	_ =	swait.ge [sflag:s25], $0x8000  }
0x27: {  	s9 =	sand.u32 $0x70, s3;
	s6 =	sand.u32 $0x7C00, s3;
	[sflag:s25] =	ssyncset.done $0x0  }
0x28: {  	s5 =	sor.u32 s9, s6;
	[sflag:s25] =	ssyncadd.s32 $0xFFFF8000  }
0x29: {  	v0 =	vld [tilespmem:s5+$0x0]  }
0x2a: {  	v1 =	vld [tilespmem:s5+$0x80]  }
0x2b: {  	v2 =	vld [tilespmem:s5+$0x100]  }
0x2c: {  	s10 =	simm.s32 $0x10;
	s7 =	simm.s32 $0x80;
	v3 =	vld [tilespmem:s5+$0x180]  }
0x2d: {  	s6 =	sand.u32 $0x70, s10;
	s7 =	sand.u32 $0x7C00, s7;
	v4 =	vld [tilespmem:s5+$0x200]  }
0x2e: {  	s8 =	sor.u32 s6, s7;
	v5 =	vld [tilespmem:s5+$0x280]  }
0x2f: {  	s9 =	simm.s32 $0x20;
	s10 =	simm.s32 $0x100;
	v6 =	vld [tilespmem:s8+$0x0];
	v0 =	vshll.u32 v0, $0x3;
	v1 =	vshll.u32 v1, $0x2  }
0x30: {  	s6 =	sand.u32 $0x70, s9;
	s7 =	sand.u32 $0x7C00, s10;
	v7 =	vld [tilespmem:s8+$0x180];
	v0 =	vadd.s32 v0, v1  }
0x31: {  	s6 =	sor.u32 s6, s7;
	v1 =	vld [tilespmem:s8+$0x80];
	v0 =	vadd.s32 v3, v0  }
0x32: {  	v8 =	vld [tilespmem:s6+$0x0];
	v4 =	vshll.u32 v4, $0x1;
	v2 =	vshll.u32 v2, $0x3;
	v0 =	vshll.u32 v0, $0x2  }
0x33: {  	v4 =	vadd.s32 v5, v4;
	v3 =	vld [tilespmem:s8+$0x100];
	v0 =	vadd.s32 v0, v2  }
0x34: {  	v2 =	vld [tilespmem:s8+$0x200];
	v0 =	vadd.s32 v0, v4  }
0x35: {  	v4 =	vld [tilespmem:s8+$0x280]  }
0x36: {  	v9 =	vld [tilespmem:s6+$0x180];
	v6 =	vshll.u32 v6, $0x3;
	v1 =	vshll.u32 v1, $0x2  }
0x37: {  	v1 =	vadd.s32 v6, v1;
	v6 =	vld [tilespmem:s6+$0x80]  }
0x38: {  	v5 =	vld [tilespmem:s6+$0x100];
	v1 =	vadd.s32 v7, v1  }
0x39: {  	s9 =	simm.s32 $0x180;
	s8 =	simm.s32 $0x30;
	v3 =	vshll.u32 v3, $0x3;
	v2 =	vshll.u32 v2, $0x1;
	v1 =	vshll.u32 v1, $0x2;
	v7 =	vld.idx.msk [tilespmem:v0+s23+$0x0], $0xffff  }
0x3a: {  	s7 =	sand.u32 $0x7C00, s9;
	s5 =	sand.u32 $0x70, s8;
	v0 =	vadd.s32 v4, v2;
	v1 =	vadd.s32 v1, v3;
	v3 =	vld [tilespmem:s6+$0x200]  }
0x3b: {  	s5 =	sor.u32 s5, s7;
	v4 =	vld [tilespmem:s6+$0x280];
	v0 =	vadd.s32 v1, v0  }
0x3c: {  	v10 =	vld [tilespmem:s5+$0x0];
	v2 =	vshll.u32 v8, $0x3;
	v6 =	vshll.u32 v6, $0x2  }
0x3d: {  	v8 =	vld [tilespmem:s5+$0x80];
	v2 =	vadd.s32 v2, v6  }
0x3e: {  	v1 =	vld [tilespmem:s5+$0x100];
	v6 =	vadd.s32 v9, v2  }
0x3f: {  	v5 =	vshll.u32 v5, $0x3;
	v2 =	vld [tilespmem:s5+$0x180];
	v3 =	vshll.u32 v3, $0x1;
	v9 =	vshll.u32 v6, $0x2  }
0x40: {  	s10 =	simm.s32 $0x40;
	s6 =	simm.s32 $0x200;
	v0 =	vld.idx.msk [tilespmem:v0+s23+$0x0], $0xffff;
	v3 =	vadd.s32 v4, v3;
	v4 =	vadd.s32 v9, v5  }
0x41: {  	s7 =	sand.u32 $0x70, s10;
	s8 =	sand.u32 $0x7C00, s6;
	v6 =	vld [tilespmem:s5+$0x200];
	v3 =	vadd.s32 v4, v3  }
0x42: {  	s7 =	sor.u32 s7, s8;
	v5 =	vld [tilespmem:s5+$0x280]  }
0x43: {  	s8 =	simm.s32 $0x50;
	[tilespmem:s26+$0x0] =	vst v7;
	v7 =	vshll.u32 v10, $0x3;
	v8 =	vshll.u32 v8, $0x2;
	s5 =	simm.s32 $0x18080;
	v4 =	vld [tilespmem:s7+$0x100]  }
.LBB2_2:
0x44: {  	p0 =	sne.s32 s8, $0xFF0;
	v9 =	vld [tilespmem:s7+$0x0];
	v7 =	vadd.s32 v7, v8;
	s5 =	sadd.s32 $0x10, s5  }
0x45: {  	v8 =	vld [tilespmem:s7+$0x80];
	v2 =	vadd.s32 v2, v7;
	[tilespmem:s5+$0x0] =	vst v0  }
.Ltmp0:
0x46: {  	v10 =	vshll.u32 v1, $0x3;
	v6 =	vshll.u32 v6, $0x1;
	v7 =	vshll.u32 v2, $0x2;
	v0 =	vld.idx.msk [tilespmem:v3+s23+$0x0], $0xffff;
	(pc) =	sbr.rel @p0 .LBB2_2-.Ltmp0, $4  }
0x47: {  	s6 =	sadd.s32 $0x80, s6;
	v2 =	vld [tilespmem:s7+$0x180];
	v3 =	vadd.s32 v5, v6;
	v5 =	vadd.s32 v7, v10  }
0x48: {  	s9 =	sand.u32 $0x70, s8;
	s10 =	sand.u32 $0x7C00, s6;
	v6 =	vld [tilespmem:s7+$0x200];
	v3 =	vadd.s32 v5, v3;
	v1 =	vmov v4  }
0x49: {  	v5 =	vld [tilespmem:s7+$0x280];
	s7 =	sor.u32 s9, s10  }
0x4a: {  	s8 =	sadd.s32 $0x10, s8;
	v7 =	vshll.u32 v9, $0x3;
	v4 =	vld [tilespmem:s7+$0x100];
	v8 =	vshll.u32 v8, $0x2  }
0x4b: {  	v9 =	vld [tilespmem:s7+$0x0]  }
0x4c: {  	v10 =	vld [tilespmem:s7+$0x80];
	_ =	sdelay $0x1  }
0x4d: {  	v11 =	vld [tilespmem:s7+$0x180]  }
0x4e: {  	v12 =	vld [tilespmem:s7+$0x200]  }
0x4f: {  	v7 =	vadd.s32 v7, v8;
	v8 =	vld [tilespmem:s7+$0x280];
	v1 =	vshll.u32 v1, $0x3  }
0x50: {  	v2 =	vadd.s32 v2, v7;
	v9 =	vshll.u32 v9, $0x3;
	v10 =	vshll.u32 v10, $0x2  }
0x51: {  	v6 =	vshll.u32 v6, $0x1;
	v2 =	vshll.u32 v2, $0x2;
	v7 =	vadd.s32 v9, v10  }
0x52: {  	v5 =	vadd.s32 v5, v6;
	v1 =	vadd.s32 v2, v1;
	v2 =	vadd.s32 v11, v7  }
0x53: {  	v4 =	vshll.u32 v4, $0x3;
	v6 =	vshll.u32 v12, $0x1;
	v2 =	vshll.u32 v2, $0x2  }
0x54: {  	v1 =	vadd.s32 v1, v5;
	v5 =	vadd.s32 v8, v6;
	v2 =	vadd.s32 v2, v4  }
0x55: {  	v2 =	vadd.s32 v2, v5;
	_ =	sdelay $0x2  }
0x56: {  	v3 =	vld.idx.msk [tilespmem:v3+s23+$0x0], $0xffff  }
0x57: {  	v1 =	vld.idx.msk [tilespmem:v1+s23+$0x0], $0xffff  }
0x58: {  	v2 =	vld.idx.msk [tilespmem:v2+s23+$0x0], $0xffff  }
0x59: {  	s5 =	sadd.s32 $0x10, s5  }
0x5a: {  	[tilespmem:s5+$0x0] =	vst v0;
	s5 =	sadd.s32 $0x10, s5  }
0x5b: {  	[tilespmem:s5+$0x0] =	vst v3;
	s5 =	sadd.s32 $0x10, s5  }
0x5c: {  	[tilespmem:s5+$0x0] =	vst v1;
	s5 =	sadd.s32 $0x10, s5  }
0x5d: {  	[tilespmem:s5+$0x0] =	vst v2  }
0x5e: {  	s10 =	simm.s32 $0x0;
	s6 =	rddreg [dreg:$0x7]  }
0x5f: {  	[hbm4b:s6+s10] =	stream.linear.scatter [tilespmem:s26], [sflag:$0x4], $0x1000, $0x38;
	[tilespmem:$0x1B080] =	vst v63  }
0x60: {  	s7 =	rddreg [dreg:$0x8]  }
0x61: {  	[tilespmem:s10], [sflag:$0x1] =	stream.linear.gather [hbm4b:s7+s10], $0x8000, $0x38;
	[tilespmem:$0x1B080] =	vst v63  }
0x62: {  	_ =	swait.ge [sflag:s28], $0x8000  }
0x63: {  	s8 =	sand.u32 $0x70, s10;
	s5 =	sand.u32 $0x7C00, s10;
	[sflag:s28] =	ssyncset.done $0x0  }
0x64: {  	s5 =	sor.u32 s8, s5;
	[sflag:s28] =	ssyncadd.s32 $0xFFFF8000  }
0x65: {  	v0 =	vld [tilespmem:s5+$0x8000]  }
0x66: {  	v1 =	vld [tilespmem:s5+$0x8080]  }
0x67: {  	v2 =	vld [tilespmem:s5+$0x8100]  }
0x68: {  	s9 =	simm.s32 $0x10;
	s10 =	simm.s32 $0x80;
	v3 =	vld [tilespmem:s5+$0x8180]  }
0x69: {  	s6 =	sand.u32 $0x70, s9;
	s7 =	sand.u32 $0x7C00, s10;
	v4 =	vld [tilespmem:s5+$0x8200]  }
0x6a: {  	s8 =	sor.u32 s6, s7;
	v5 =	vld [tilespmem:s5+$0x8280]  }
0x6b: {  	s9 =	simm.s32 $0x20;
	s10 =	simm.s32 $0x100;
	v6 =	vld [tilespmem:s8+$0x8000];
	v0 =	vshll.u32 v0, $0x3;
	v1 =	vshll.u32 v1, $0x2  }
0x6c: {  	s6 =	sand.u32 $0x70, s9;
	s7 =	sand.u32 $0x7C00, s10;
	v7 =	vld [tilespmem:s8+$0x8180];
	v0 =	vadd.s32 v0, v1  }
0x6d: {  	s6 =	sor.u32 s6, s7;
	v1 =	vld [tilespmem:s8+$0x8080];
	v0 =	vadd.s32 v3, v0  }
0x6e: {  	v8 =	vld [tilespmem:s6+$0x8000];
	v4 =	vshll.u32 v4, $0x1;
	v2 =	vshll.u32 v2, $0x3;
	v0 =	vshll.u32 v0, $0x2  }
0x6f: {  	v4 =	vadd.s32 v5, v4;
	v3 =	vld [tilespmem:s8+$0x8100];
	v0 =	vadd.s32 v0, v2  }
0x70: {  	v2 =	vld [tilespmem:s8+$0x8200];
	v0 =	vadd.s32 v0, v4  }
0x71: {  	v4 =	vld [tilespmem:s8+$0x8280]  }
0x72: {  	v9 =	vld [tilespmem:s6+$0x8180];
	v6 =	vshll.u32 v6, $0x3;
	v1 =	vshll.u32 v1, $0x2  }
0x73: {  	v1 =	vadd.s32 v6, v1;
	v6 =	vld [tilespmem:s6+$0x8080]  }
0x74: {  	v5 =	vld [tilespmem:s6+$0x8100];
	v1 =	vadd.s32 v7, v1  }
0x75: {  	s7 =	simm.s32 $0x30;
	s8 =	simm.s32 $0x180;
	v3 =	vshll.u32 v3, $0x3;
	v2 =	vshll.u32 v2, $0x1;
	v1 =	vshll.u32 v1, $0x2;
	v7 =	vld.idx.msk [tilespmem:v0+s23+$0x0], $0xffff  }
0x76: {  	s5 =	sand.u32 $0x70, s7;
	s7 =	sand.u32 $0x7C00, s8;
	v0 =	vadd.s32 v4, v2;
	v1 =	vadd.s32 v1, v3;
	v3 =	vld [tilespmem:s6+$0x8200]  }
0x77: {  	s8 =	sor.u32 s5, s7;
	v4 =	vld [tilespmem:s6+$0x8280];
	v0 =	vadd.s32 v1, v0  }
0x78: {  	v10 =	vld [tilespmem:s8+$0x8000];
	v2 =	vshll.u32 v8, $0x3;
	v6 =	vshll.u32 v6, $0x2  }
0x79: {  	v8 =	vld [tilespmem:s8+$0x8080];
	v2 =	vadd.s32 v2, v6  }
0x7a: {  	v1 =	vld [tilespmem:s8+$0x8100];
	v6 =	vadd.s32 v9, v2  }
0x7b: {  	v5 =	vshll.u32 v5, $0x3;
	v2 =	vld [tilespmem:s8+$0x8180];
	v3 =	vshll.u32 v3, $0x1;
	v9 =	vshll.u32 v6, $0x2  }
0x7c: {  	s9 =	simm.s32 $0x40;
	s6 =	simm.s32 $0x200;
	v0 =	vld.idx.msk [tilespmem:v0+s23+$0x0], $0xffff;
	v3 =	vadd.s32 v4, v3;
	v4 =	vadd.s32 v9, v5  }
0x7d: {  	s10 =	sand.u32 $0x70, s9;
	s9 =	sand.u32 $0x7C00, s6;
	v6 =	vld [tilespmem:s8+$0x8200];
	v3 =	vadd.s32 v4, v3  }
0x7e: {  	s5 =	simm.s32 $0x19080;
	s7 =	sor.u32 s10, s9;
	v5 =	vld [tilespmem:s8+$0x8280]  }
0x7f: {  	[tilespmem:s5+$0x0] =	vst v7;
	v7 =	vshll.u32 v10, $0x3;
	v8 =	vshll.u32 v8, $0x2;
	s8 =	simm.s32 $0x50;
	v4 =	vld [tilespmem:s7+$0x8100]  }
.LBB2_4:
0x80: {  	p0 =	sne.s32 s8, $0xFF0;
	v9 =	vld [tilespmem:s7+$0x8000];
	v7 =	vadd.s32 v7, v8;
	s5 =	sadd.s32 $0x10, s5  }
0x81: {  	v8 =	vld [tilespmem:s7+$0x8080];
	v2 =	vadd.s32 v2, v7;
	[tilespmem:s5+$0x0] =	vst v0  }
.Ltmp1:
0x82: {  	v10 =	vshll.u32 v1, $0x3;
	v6 =	vshll.u32 v6, $0x1;
	v7 =	vshll.u32 v2, $0x2;
	v0 =	vld.idx.msk [tilespmem:v3+s23+$0x0], $0xffff;
	(pc) =	sbr.rel @p0 .LBB2_4-.Ltmp1, $4  }
0x83: {  	s6 =	sadd.s32 $0x80, s6;
	v2 =	vld [tilespmem:s7+$0x8180];
	v3 =	vadd.s32 v5, v6;
	v5 =	vadd.s32 v7, v10  }
0x84: {  	s9 =	sand.u32 $0x70, s8;
	s10 =	sand.u32 $0x7C00, s6;
	v6 =	vld [tilespmem:s7+$0x8200];
	v3 =	vadd.s32 v5, v3;
	v1 =	vmov v4  }
0x85: {  	v5 =	vld [tilespmem:s7+$0x8280];
	s7 =	sor.u32 s9, s10  }
0x86: {  	s8 =	sadd.s32 $0x10, s8;
	v7 =	vshll.u32 v9, $0x3;
	v4 =	vld [tilespmem:s7+$0x8100];
	v8 =	vshll.u32 v8, $0x2  }
0x87: {  	v9 =	vld [tilespmem:s7+$0x8000]  }
0x88: {  	v10 =	vld [tilespmem:s7+$0x8080];
	_ =	sdelay $0x1  }
0x89: {  	v11 =	vld [tilespmem:s7+$0x8180]  }
0x8a: {  	v12 =	vld [tilespmem:s7+$0x8200]  }
0x8b: {  	v7 =	vadd.s32 v7, v8;
	v8 =	vld [tilespmem:s7+$0x8280];
	v1 =	vshll.u32 v1, $0x3  }
0x8c: {  	v2 =	vadd.s32 v2, v7;
	v9 =	vshll.u32 v9, $0x3;
	v10 =	vshll.u32 v10, $0x2  }
0x8d: {  	v6 =	vshll.u32 v6, $0x1;
	v2 =	vshll.u32 v2, $0x2;
	v7 =	vadd.s32 v9, v10  }
0x8e: {  	v5 =	vadd.s32 v5, v6;
	v1 =	vadd.s32 v2, v1;
	v2 =	vadd.s32 v11, v7  }
0x8f: {  	v4 =	vshll.u32 v4, $0x3;
	v6 =	vshll.u32 v12, $0x1;
	v2 =	vshll.u32 v2, $0x2  }
0x90: {  	v1 =	vadd.s32 v1, v5;
	v5 =	vadd.s32 v8, v6;
	v2 =	vadd.s32 v2, v4  }
0x91: {  	v2 =	vadd.s32 v2, v5;
	_ =	sdelay $0x2  }
0x92: {  	v3 =	vld.idx.msk [tilespmem:v3+s23+$0x0], $0xffff  }
0x93: {  	v1 =	vld.idx.msk [tilespmem:v1+s23+$0x0], $0xffff  }
0x94: {  	v2 =	vld.idx.msk [tilespmem:v2+s23+$0x0], $0xffff  }
0x95: {  	s5 =	sadd.s32 $0x10, s5  }
0x96: {  	[tilespmem:s5+$0x0] =	vst v0;
	s5 =	sadd.s32 $0x10, s5  }
0x97: {  	[tilespmem:s5+$0x0] =	vst v3;
	s5 =	sadd.s32 $0x10, s5  }
0x98: {  	[tilespmem:s5+$0x0] =	vst v1;
	s5 =	sadd.s32 $0x10, s5  }
0x99: {  	[tilespmem:s5+$0x0] =	vst v2  }
0x9a: {  	s10 =	simm.s32 $0x0;
	s6 =	rddreg [dreg:$0x9]  }
0x9b: {  	[hbm4b:s6+s10] =	stream.linear.scatter [tilespmem:s29], [sflag:$0x5], $0x1000, $0x38;
	[tilespmem:$0x1B080] =	vst v63  }
0x9c: {  	s7 =	rddreg [dreg:$0xa]  }
0x9d: {  	[tilespmem:s21], [sflag:$0x2] =	stream.linear.gather [hbm4b:s7+s10], $0x8000, $0x38;
	[tilespmem:$0x1B080] =	vst v63  }
0x9e: {  	_ =	swait.ge [sflag:s30], $0x8000  }
0x9f: {  	s8 =	sand.u32 $0x70, s10;
	s5 =	sand.u32 $0x7C00, s10;
	[sflag:s30] =	ssyncset.done $0x0  }
0xa0: {  	s5 =	sor.u32 s8, s5;
	[sflag:s30] =	ssyncadd.s32 $0xFFFF8000  }
0xa1: {  	v0 =	vld [tilespmem:s5+$0x10000]  }
0xa2: {  	v1 =	vld [tilespmem:s5+$0x10080]  }
0xa3: {  	v2 =	vld [tilespmem:s5+$0x10100]  }
0xa4: {  	s9 =	simm.s32 $0x10;
	s10 =	simm.s32 $0x80;
	v3 =	vld [tilespmem:s5+$0x10180]  }
0xa5: {  	s6 =	sand.u32 $0x70, s9;
	s7 =	sand.u32 $0x7C00, s10;
	v4 =	vld [tilespmem:s5+$0x10200]  }
0xa6: {  	s8 =	sor.u32 s6, s7;
	v5 =	vld [tilespmem:s5+$0x10280]  }
0xa7: {  	s9 =	simm.s32 $0x20;
	s10 =	simm.s32 $0x100;
	v6 =	vld [tilespmem:s8+$0x10000];
	v0 =	vshll.u32 v0, $0x3;
	v1 =	vshll.u32 v1, $0x2  }
0xa8: {  	s6 =	sand.u32 $0x70, s9;
	s7 =	sand.u32 $0x7C00, s10;
	v7 =	vld [tilespmem:s8+$0x10180];
	v0 =	vadd.s32 v0, v1  }
0xa9: {  	s6 =	sor.u32 s6, s7;
	v1 =	vld [tilespmem:s8+$0x10080];
	v0 =	vadd.s32 v3, v0  }
0xaa: {  	v8 =	vld [tilespmem:s6+$0x10000];
	v4 =	vshll.u32 v4, $0x1;
	v2 =	vshll.u32 v2, $0x3;
	v0 =	vshll.u32 v0, $0x2  }
0xab: {  	v4 =	vadd.s32 v5, v4;
	v3 =	vld [tilespmem:s8+$0x10100];
	v0 =	vadd.s32 v0, v2  }
0xac: {  	v2 =	vld [tilespmem:s8+$0x10200];
	v0 =	vadd.s32 v0, v4  }
0xad: {  	v4 =	vld [tilespmem:s8+$0x10280]  }
0xae: {  	v9 =	vld [tilespmem:s6+$0x10180];
	v6 =	vshll.u32 v6, $0x3;
	v1 =	vshll.u32 v1, $0x2  }
0xaf: {  	v1 =	vadd.s32 v6, v1;
	v6 =	vld [tilespmem:s6+$0x10080]  }
0xb0: {  	v5 =	vld [tilespmem:s6+$0x10100];
	v1 =	vadd.s32 v7, v1  }
0xb1: {  	s7 =	simm.s32 $0x30;
	s8 =	simm.s32 $0x180;
	v3 =	vshll.u32 v3, $0x3;
	v2 =	vshll.u32 v2, $0x1;
	v1 =	vshll.u32 v1, $0x2;
	v7 =	vld.idx.msk [tilespmem:v0+s23+$0x0], $0xffff  }
0xb2: {  	s5 =	sand.u32 $0x70, s7;
	s7 =	sand.u32 $0x7C00, s8;
	v0 =	vadd.s32 v4, v2;
	v1 =	vadd.s32 v1, v3;
	v3 =	vld [tilespmem:s6+$0x10200]  }
0xb3: {  	s8 =	sor.u32 s5, s7;
	v4 =	vld [tilespmem:s6+$0x10280];
	v0 =	vadd.s32 v1, v0  }
0xb4: {  	v10 =	vld [tilespmem:s8+$0x10000];
	v2 =	vshll.u32 v8, $0x3;
	v6 =	vshll.u32 v6, $0x2  }
0xb5: {  	v8 =	vld [tilespmem:s8+$0x10080];
	v2 =	vadd.s32 v2, v6  }
0xb6: {  	v1 =	vld [tilespmem:s8+$0x10100];
	v6 =	vadd.s32 v9, v2  }
0xb7: {  	v5 =	vshll.u32 v5, $0x3;
	v2 =	vld [tilespmem:s8+$0x10180];
	v3 =	vshll.u32 v3, $0x1;
	v9 =	vshll.u32 v6, $0x2  }
0xb8: {  	s9 =	simm.s32 $0x40;
	s6 =	simm.s32 $0x200;
	v0 =	vld.idx.msk [tilespmem:v0+s23+$0x0], $0xffff;
	v3 =	vadd.s32 v4, v3;
	v4 =	vadd.s32 v9, v5  }
0xb9: {  	s10 =	sand.u32 $0x70, s9;
	s9 =	sand.u32 $0x7C00, s6;
	v6 =	vld [tilespmem:s8+$0x10200];
	v3 =	vadd.s32 v4, v3  }
0xba: {  	s5 =	simm.s32 $0x1A080;
	s7 =	sor.u32 s10, s9;
	v5 =	vld [tilespmem:s8+$0x10280]  }
0xbb: {  	[tilespmem:s5+$0x0] =	vst v7;
	v7 =	vshll.u32 v10, $0x3;
	v8 =	vshll.u32 v8, $0x2;
	s8 =	simm.s32 $0x50;
	v4 =	vld [tilespmem:s7+$0x10100]  }
.LBB2_6:
0xbc: {  	p0 =	sne.s32 s8, $0xFF0;
	v9 =	vld [tilespmem:s7+$0x10000];
	v7 =	vadd.s32 v7, v8;
	s5 =	sadd.s32 $0x10, s5  }
0xbd: {  	v8 =	vld [tilespmem:s7+$0x10080];
	v2 =	vadd.s32 v2, v7;
	[tilespmem:s5+$0x0] =	vst v0  }
.Ltmp2:
0xbe: {  	v10 =	vshll.u32 v1, $0x3;
	v6 =	vshll.u32 v6, $0x1;
	v7 =	vshll.u32 v2, $0x2;
	v0 =	vld.idx.msk [tilespmem:v3+s23+$0x0], $0xffff;
	(pc) =	sbr.rel @p0 .LBB2_6-.Ltmp2, $4  }
0xbf: {  	s6 =	sadd.s32 $0x80, s6;
	v2 =	vld [tilespmem:s7+$0x10180];
	v3 =	vadd.s32 v5, v6;
	v5 =	vadd.s32 v7, v10  }
0xc0: {  	s9 =	sand.u32 $0x70, s8;
	s10 =	sand.u32 $0x7C00, s6;
	v6 =	vld [tilespmem:s7+$0x10200];
	v3 =	vadd.s32 v5, v3;
	v1 =	vmov v4  }
0xc1: {  	v5 =	vld [tilespmem:s7+$0x10280];
	s7 =	sor.u32 s9, s10  }
0xc2: {  	s8 =	sadd.s32 $0x10, s8;
	v7 =	vshll.u32 v9, $0x3;
	v4 =	vld [tilespmem:s7+$0x10100];
	v8 =	vshll.u32 v8, $0x2  }
0xc3: {  	v9 =	vld [tilespmem:s7+$0x10000]  }
0xc4: {  	v10 =	vld [tilespmem:s7+$0x10080];
	_ =	sdelay $0x1  }
0xc5: {  	v11 =	vld [tilespmem:s7+$0x10180]  }
0xc6: {  	v12 =	vld [tilespmem:s7+$0x10200]  }
0xc7: {  	v7 =	vadd.s32 v7, v8;
	v8 =	vld [tilespmem:s7+$0x10280];
	v1 =	vshll.u32 v1, $0x3  }
0xc8: {  	v2 =	vadd.s32 v2, v7;
	v9 =	vshll.u32 v9, $0x3;
	v10 =	vshll.u32 v10, $0x2  }
0xc9: {  	v6 =	vshll.u32 v6, $0x1;
	v2 =	vshll.u32 v2, $0x2;
	v7 =	vadd.s32 v9, v10  }
0xca: {  	v5 =	vadd.s32 v5, v6;
	v1 =	vadd.s32 v2, v1;
	v2 =	vadd.s32 v11, v7  }
0xcb: {  	v4 =	vshll.u32 v4, $0x3;
	v6 =	vshll.u32 v12, $0x1;
	v2 =	vshll.u32 v2, $0x2  }
0xcc: {  	v1 =	vadd.s32 v1, v5;
	v5 =	vadd.s32 v8, v6;
	v2 =	vadd.s32 v2, v4  }
0xcd: {  	v2 =	vadd.s32 v2, v5;
	_ =	sdelay $0x2  }
0xce: {  	v3 =	vld.idx.msk [tilespmem:v3+s23+$0x0], $0xffff  }
0xcf: {  	v1 =	vld.idx.msk [tilespmem:v1+s23+$0x0], $0xffff  }
0xd0: {  	v2 =	vld.idx.msk [tilespmem:v2+s23+$0x0], $0xffff  }
0xd1: {  	s5 =	sadd.s32 $0x10, s5  }
0xd2: {  	[tilespmem:s5+$0x0] =	vst v0;
	s5 =	sadd.s32 $0x10, s5  }
0xd3: {  	[tilespmem:s5+$0x0] =	vst v3;
	s5 =	sadd.s32 $0x10, s5  }
0xd4: {  	[tilespmem:s5+$0x0] =	vst v1;
	s5 =	sadd.s32 $0x10, s5  }
0xd5: {  	s8 =	simm.s32 $0x0;
	[tilespmem:s5+$0x0] =	vst v2  }
0xd6: {  	[hbm4b:s11+s8] =	stream.linear.scatter [tilespmem:s31], [sflag:$0x6], $0x1000, $0x38;
	[tilespmem:$0x1B080] =	vst v63  }
0xd7: {  	_ = 	snop  }
0xd8: {  	[tilespmem:s22], [sflag:$0x3] =	stream.linear.gather [hbm4b:s12+s8], $0x8000, $0x38;
	[tilespmem:$0x1B080] =	vst v63  }
0xd9: {  	_ =	swait.ge [sflag:s25], $0x8000  }
0xda: {  	[sflag:s25] =	ssyncset.done $0x0  }
0xdb: {  	[sflag:s25] =	ssyncadd.s32 $0xFFFF8000  }
0xdc: {  	_ =	swait.ge [sflag:s1], $0x1000  }
0xdd: {  	s6 =	sand.u32 $0x70, s8;
	s5 =	sand.u32 $0x7C00, s8;
	[sflag:s1] =	ssyncset.done $0x0  }
0xde: {  	s5 =	sor.u32 s6, s5;
	[sflag:s1] =	ssyncadd.s32 $0xFFFFF000  }
0xdf: {  	v0 =	vld [tilespmem:s5+$0x0]  }
0xe0: {  	v1 =	vld [tilespmem:s5+$0x80]  }
0xe1: {  	v2 =	vld [tilespmem:s5+$0x100]  }
0xe2: {  	s9 =	simm.s32 $0x10;
	s10 =	simm.s32 $0x80;
	v3 =	vld [tilespmem:s5+$0x180]  }
0xe3: {  	s7 =	sand.u32 $0x7C00, s10;
	s6 =	sand.u32 $0x70, s9;
	v4 =	vld [tilespmem:s5+$0x200]  }
0xe4: {  	s8 =	sor.u32 s6, s7;
	v5 =	vld [tilespmem:s5+$0x280]  }
0xe5: {  	s10 =	simm.s32 $0x100;
	s9 =	simm.s32 $0x20;
	v6 =	vld [tilespmem:s8+$0x0];
	v0 =	vshll.u32 v0, $0x3;
	v1 =	vshll.u32 v1, $0x2  }
0xe6: {  	s6 =	sand.u32 $0x70, s9;
	s7 =	sand.u32 $0x7C00, s10;
	v7 =	vld [tilespmem:s8+$0x180];
	v0 =	vadd.s32 v0, v1  }
0xe7: {  	s6 =	sor.u32 s6, s7;
	v1 =	vld [tilespmem:s8+$0x80];
	v0 =	vadd.s32 v3, v0  }
0xe8: {  	v8 =	vld [tilespmem:s6+$0x0];
	v4 =	vshll.u32 v4, $0x1;
	v2 =	vshll.u32 v2, $0x3;
	v0 =	vshll.u32 v0, $0x2  }
0xe9: {  	v4 =	vadd.s32 v5, v4;
	v3 =	vld [tilespmem:s8+$0x100];
	v0 =	vadd.s32 v0, v2  }
0xea: {  	v2 =	vld [tilespmem:s8+$0x200];
	v0 =	vadd.s32 v0, v4  }
0xeb: {  	v4 =	vld [tilespmem:s8+$0x280]  }
0xec: {  	v9 =	vld [tilespmem:s6+$0x180];
	v6 =	vshll.u32 v6, $0x3;
	v1 =	vshll.u32 v1, $0x2  }
0xed: {  	v1 =	vadd.s32 v6, v1;
	v6 =	vld [tilespmem:s6+$0x80]  }
0xee: {  	v5 =	vld [tilespmem:s6+$0x100];
	v1 =	vadd.s32 v7, v1  }
0xef: {  	s7 =	simm.s32 $0x30;
	s8 =	simm.s32 $0x180;
	v3 =	vshll.u32 v3, $0x3;
	v2 =	vshll.u32 v2, $0x1;
	v1 =	vshll.u32 v1, $0x2;
	v7 =	vld.idx.msk [tilespmem:v0+s23+$0x0], $0xffff  }
0xf0: {  	s5 =	sand.u32 $0x70, s7;
	s7 =	sand.u32 $0x7C00, s8;
	v0 =	vadd.s32 v4, v2;
	v1 =	vadd.s32 v1, v3;
	v3 =	vld [tilespmem:s6+$0x200]  }
0xf1: {  	s8 =	sor.u32 s5, s7;
	v4 =	vld [tilespmem:s6+$0x280];
	v0 =	vadd.s32 v1, v0  }
0xf2: {  	v10 =	vld [tilespmem:s8+$0x0];
	v2 =	vshll.u32 v8, $0x3;
	v6 =	vshll.u32 v6, $0x2  }
0xf3: {  	v8 =	vld [tilespmem:s8+$0x80];
	v2 =	vadd.s32 v2, v6  }
0xf4: {  	v1 =	vld [tilespmem:s8+$0x100];
	v6 =	vadd.s32 v9, v2  }
0xf5: {  	v5 =	vshll.u32 v5, $0x3;
	v2 =	vld [tilespmem:s8+$0x180];
	v3 =	vshll.u32 v3, $0x1;
	v9 =	vshll.u32 v6, $0x2  }
0xf6: {  	s9 =	simm.s32 $0x40;
	s6 =	simm.s32 $0x200;
	v0 =	vld.idx.msk [tilespmem:v0+s23+$0x0], $0xffff;
	v3 =	vadd.s32 v4, v3;
	v4 =	vadd.s32 v9, v5  }
0xf7: {  	s10 =	sand.u32 $0x70, s9;
	s9 =	sand.u32 $0x7C00, s6;
	v6 =	vld [tilespmem:s8+$0x200];
	v3 =	vadd.s32 v4, v3  }
0xf8: {  	s5 =	simm.s32 $0x18080;
	s7 =	sor.u32 s10, s9;
	v5 =	vld [tilespmem:s8+$0x280]  }
0xf9: {  	[tilespmem:s5+$0x0] =	vst v7;
	v7 =	vshll.u32 v10, $0x3;
	v8 =	vshll.u32 v8, $0x2;
	s8 =	simm.s32 $0x50;
	v4 =	vld [tilespmem:s7+$0x100]  }
.LBB2_8:
0xfa: {  	p0 =	sne.s32 s8, $0xFF0;
	v9 =	vld [tilespmem:s7+$0x0];
	v7 =	vadd.s32 v7, v8;
	s5 =	sadd.s32 $0x10, s5  }
0xfb: {  	v8 =	vld [tilespmem:s7+$0x80];
	v2 =	vadd.s32 v2, v7;
	[tilespmem:s5+$0x0] =	vst v0  }
.Ltmp3:
0xfc: {  	v10 =	vshll.u32 v1, $0x3;
	v6 =	vshll.u32 v6, $0x1;
	v7 =	vshll.u32 v2, $0x2;
	v0 =	vld.idx.msk [tilespmem:v3+s23+$0x0], $0xffff;
	(pc) =	sbr.rel @p0 .LBB2_8-.Ltmp3, $4  }
0xfd: {  	s6 =	sadd.s32 $0x80, s6;
	v2 =	vld [tilespmem:s7+$0x180];
	v3 =	vadd.s32 v5, v6;
	v5 =	vadd.s32 v7, v10  }
0xfe: {  	s9 =	sand.u32 $0x70, s8;
	s10 =	sand.u32 $0x7C00, s6;
	v6 =	vld [tilespmem:s7+$0x200];
	v3 =	vadd.s32 v5, v3;
	v1 =	vmov v4  }
0xff: {  	v5 =	vld [tilespmem:s7+$0x280];
	s7 =	sor.u32 s9, s10  }
0x100: {  	s8 =	sadd.s32 $0x10, s8;
	v7 =	vshll.u32 v9, $0x3;
	v4 =	vld [tilespmem:s7+$0x100];
	v8 =	vshll.u32 v8, $0x2  }
0x101: {  	v9 =	vld [tilespmem:s7+$0x0]  }
0x102: {  	v10 =	vld [tilespmem:s7+$0x80];
	_ =	sdelay $0x1  }
0x103: {  	v11 =	vld [tilespmem:s7+$0x180]  }
0x104: {  	v12 =	vld [tilespmem:s7+$0x200]  }
0x105: {  	v7 =	vadd.s32 v7, v8;
	v8 =	vld [tilespmem:s7+$0x280];
	v1 =	vshll.u32 v1, $0x3  }
0x106: {  	v2 =	vadd.s32 v2, v7;
	v9 =	vshll.u32 v9, $0x3;
	v10 =	vshll.u32 v10, $0x2  }
0x107: {  	v6 =	vshll.u32 v6, $0x1;
	v2 =	vshll.u32 v2, $0x2;
	v7 =	vadd.s32 v9, v10  }
0x108: {  	v5 =	vadd.s32 v5, v6;
	v1 =	vadd.s32 v2, v1;
	v2 =	vadd.s32 v11, v7  }
0x109: {  	v4 =	vshll.u32 v4, $0x3;
	v6 =	vshll.u32 v12, $0x1;
	v2 =	vshll.u32 v2, $0x2  }
0x10a: {  	v1 =	vadd.s32 v1, v5;
	v5 =	vadd.s32 v8, v6;
	v2 =	vadd.s32 v2, v4  }
0x10b: {  	v2 =	vadd.s32 v2, v5;
	_ =	sdelay $0x2  }
0x10c: {  	v3 =	vld.idx.msk [tilespmem:v3+s23+$0x0], $0xffff  }
0x10d: {  	v1 =	vld.idx.msk [tilespmem:v1+s23+$0x0], $0xffff  }
0x10e: {  	v2 =	vld.idx.msk [tilespmem:v2+s23+$0x0], $0xffff  }
0x10f: {  	s5 =	sadd.s32 $0x10, s5  }
0x110: {  	[tilespmem:s5+$0x0] =	vst v0;
	s5 =	sadd.s32 $0x10, s5  }
0x111: {  	[tilespmem:s5+$0x0] =	vst v3;
	s5 =	sadd.s32 $0x10, s5  }
0x112: {  	[tilespmem:s5+$0x0] =	vst v1;
	s5 =	sadd.s32 $0x10, s5  }
0x113: {  	s8 =	simm.s32 $0x0;
	[tilespmem:s5+$0x0] =	vst v2  }
0x114: {  	[hbm4b:s13+s8] =	stream.linear.scatter [tilespmem:s26], [sflag:$0x4], $0x1000, $0x38;
	[tilespmem:$0x1B080] =	vst v63  }
0x115: {  	_ = 	snop  }
0x116: {  	[tilespmem:s8], [sflag:$0x1] =	stream.linear.gather [hbm4b:s14+s8], $0x8000, $0x38;
	[tilespmem:$0x1B080] =	vst v63  }
0x117: {  	_ =	swait.ge [sflag:s28], $0x8000  }
0x118: {  	[sflag:s28] =	ssyncset.done $0x0  }
0x119: {  	[sflag:s28] =	ssyncadd.s32 $0xFFFF8000  }
0x11a: {  	_ =	swait.ge [sflag:s0], $0x1000  }
0x11b: {  	s6 =	sand.u32 $0x70, s8;
	s5 =	sand.u32 $0x7C00, s8;
	[sflag:s0] =	ssyncset.done $0x0  }
0x11c: {  	s5 =	sor.u32 s6, s5;
	[sflag:s0] =	ssyncadd.s32 $0xFFFFF000  }
0x11d: {  	v0 =	vld [tilespmem:s5+$0x8000]  }
0x11e: {  	v1 =	vld [tilespmem:s5+$0x8080]  }
0x11f: {  	v2 =	vld [tilespmem:s5+$0x8100]  }
0x120: {  	s9 =	simm.s32 $0x10;
	s10 =	simm.s32 $0x80;
	v3 =	vld [tilespmem:s5+$0x8180]  }
0x121: {  	s7 =	sand.u32 $0x7C00, s10;
	s6 =	sand.u32 $0x70, s9;
	v4 =	vld [tilespmem:s5+$0x8200]  }
0x122: {  	s8 =	sor.u32 s6, s7;
	v5 =	vld [tilespmem:s5+$0x8280]  }
0x123: {  	s10 =	simm.s32 $0x100;
	s9 =	simm.s32 $0x20;
	v6 =	vld [tilespmem:s8+$0x8000];
	v0 =	vshll.u32 v0, $0x3;
	v1 =	vshll.u32 v1, $0x2  }
0x124: {  	s6 =	sand.u32 $0x70, s9;
	s7 =	sand.u32 $0x7C00, s10;
	v7 =	vld [tilespmem:s8+$0x8180];
	v0 =	vadd.s32 v0, v1  }
0x125: {  	s6 =	sor.u32 s6, s7;
	v1 =	vld [tilespmem:s8+$0x8080];
	v0 =	vadd.s32 v3, v0  }
0x126: {  	v8 =	vld [tilespmem:s6+$0x8000];
	v4 =	vshll.u32 v4, $0x1;
	v2 =	vshll.u32 v2, $0x3;
	v0 =	vshll.u32 v0, $0x2  }
0x127: {  	v4 =	vadd.s32 v5, v4;
	v3 =	vld [tilespmem:s8+$0x8100];
	v0 =	vadd.s32 v0, v2  }
0x128: {  	v2 =	vld [tilespmem:s8+$0x8200];
	v0 =	vadd.s32 v0, v4  }
0x129: {  	v4 =	vld [tilespmem:s8+$0x8280]  }
0x12a: {  	v9 =	vld [tilespmem:s6+$0x8180];
	v6 =	vshll.u32 v6, $0x3;
	v1 =	vshll.u32 v1, $0x2  }
0x12b: {  	v1 =	vadd.s32 v6, v1;
	v6 =	vld [tilespmem:s6+$0x8080]  }
0x12c: {  	v5 =	vld [tilespmem:s6+$0x8100];
	v1 =	vadd.s32 v7, v1  }
0x12d: {  	s7 =	simm.s32 $0x30;
	s8 =	simm.s32 $0x180;
	v3 =	vshll.u32 v3, $0x3;
	v2 =	vshll.u32 v2, $0x1;
	v1 =	vshll.u32 v1, $0x2;
	v7 =	vld.idx.msk [tilespmem:v0+s23+$0x0], $0xffff  }
0x12e: {  	s5 =	sand.u32 $0x70, s7;
	s7 =	sand.u32 $0x7C00, s8;
	v0 =	vadd.s32 v4, v2;
	v1 =	vadd.s32 v1, v3;
	v3 =	vld [tilespmem:s6+$0x8200]  }
0x12f: {  	s8 =	sor.u32 s5, s7;
	v4 =	vld [tilespmem:s6+$0x8280];
	v0 =	vadd.s32 v1, v0  }
0x130: {  	v10 =	vld [tilespmem:s8+$0x8000];
	v2 =	vshll.u32 v8, $0x3;
	v6 =	vshll.u32 v6, $0x2  }
0x131: {  	v8 =	vld [tilespmem:s8+$0x8080];
	v2 =	vadd.s32 v2, v6  }
0x132: {  	v1 =	vld [tilespmem:s8+$0x8100];
	v6 =	vadd.s32 v9, v2  }
0x133: {  	v5 =	vshll.u32 v5, $0x3;
	v2 =	vld [tilespmem:s8+$0x8180];
	v3 =	vshll.u32 v3, $0x1;
	v9 =	vshll.u32 v6, $0x2  }
0x134: {  	s9 =	simm.s32 $0x40;
	s6 =	simm.s32 $0x200;
	v0 =	vld.idx.msk [tilespmem:v0+s23+$0x0], $0xffff;
	v3 =	vadd.s32 v4, v3;
	v4 =	vadd.s32 v9, v5  }
0x135: {  	s10 =	sand.u32 $0x70, s9;
	s9 =	sand.u32 $0x7C00, s6;
	v6 =	vld [tilespmem:s8+$0x8200];
	v3 =	vadd.s32 v4, v3  }
0x136: {  	s5 =	simm.s32 $0x19080;
	s7 =	sor.u32 s10, s9;
	v5 =	vld [tilespmem:s8+$0x8280]  }
0x137: {  	[tilespmem:s5+$0x0] =	vst v7;
	v7 =	vshll.u32 v10, $0x3;
	v8 =	vshll.u32 v8, $0x2;
	s8 =	simm.s32 $0x50;
	v4 =	vld [tilespmem:s7+$0x8100]  }
.LBB2_10:
0x138: {  	p0 =	sne.s32 s8, $0xFF0;
	v9 =	vld [tilespmem:s7+$0x8000];
	v7 =	vadd.s32 v7, v8;
	s5 =	sadd.s32 $0x10, s5  }
0x139: {  	v8 =	vld [tilespmem:s7+$0x8080];
	v2 =	vadd.s32 v2, v7;
	[tilespmem:s5+$0x0] =	vst v0  }
.Ltmp4:
0x13a: {  	v10 =	vshll.u32 v1, $0x3;
	v6 =	vshll.u32 v6, $0x1;
	v7 =	vshll.u32 v2, $0x2;
	v0 =	vld.idx.msk [tilespmem:v3+s23+$0x0], $0xffff;
	(pc) =	sbr.rel @p0 .LBB2_10-.Ltmp4, $4  }
0x13b: {  	s6 =	sadd.s32 $0x80, s6;
	v2 =	vld [tilespmem:s7+$0x8180];
	v3 =	vadd.s32 v5, v6;
	v5 =	vadd.s32 v7, v10  }
0x13c: {  	s9 =	sand.u32 $0x70, s8;
	s10 =	sand.u32 $0x7C00, s6;
	v6 =	vld [tilespmem:s7+$0x8200];
	v3 =	vadd.s32 v5, v3;
	v1 =	vmov v4  }
0x13d: {  	v5 =	vld [tilespmem:s7+$0x8280];
	s7 =	sor.u32 s9, s10  }
0x13e: {  	s8 =	sadd.s32 $0x10, s8;
	v7 =	vshll.u32 v9, $0x3;
	v4 =	vld [tilespmem:s7+$0x8100];
	v8 =	vshll.u32 v8, $0x2  }
0x13f: {  	v9 =	vld [tilespmem:s7+$0x8000]  }
0x140: {  	v10 =	vld [tilespmem:s7+$0x8080];
	_ =	sdelay $0x1  }
0x141: {  	v11 =	vld [tilespmem:s7+$0x8180]  }
0x142: {  	v12 =	vld [tilespmem:s7+$0x8200]  }
0x143: {  	v7 =	vadd.s32 v7, v8;
	v8 =	vld [tilespmem:s7+$0x8280];
	v1 =	vshll.u32 v1, $0x3  }
0x144: {  	v2 =	vadd.s32 v2, v7;
	v9 =	vshll.u32 v9, $0x3;
	v10 =	vshll.u32 v10, $0x2  }
0x145: {  	v6 =	vshll.u32 v6, $0x1;
	v2 =	vshll.u32 v2, $0x2;
	v7 =	vadd.s32 v9, v10  }
0x146: {  	v5 =	vadd.s32 v5, v6;
	v1 =	vadd.s32 v2, v1;
	v2 =	vadd.s32 v11, v7  }
0x147: {  	v4 =	vshll.u32 v4, $0x3;
	v6 =	vshll.u32 v12, $0x1;
	v2 =	vshll.u32 v2, $0x2  }
0x148: {  	v1 =	vadd.s32 v1, v5;
	v5 =	vadd.s32 v8, v6;
	v2 =	vadd.s32 v2, v4  }
0x149: {  	v2 =	vadd.s32 v2, v5;
	_ =	sdelay $0x2  }
0x14a: {  	v3 =	vld.idx.msk [tilespmem:v3+s23+$0x0], $0xffff  }
0x14b: {  	v1 =	vld.idx.msk [tilespmem:v1+s23+$0x0], $0xffff  }
0x14c: {  	v2 =	vld.idx.msk [tilespmem:v2+s23+$0x0], $0xffff  }
0x14d: {  	s5 =	sadd.s32 $0x10, s5  }
0x14e: {  	[tilespmem:s5+$0x0] =	vst v0;
	s5 =	sadd.s32 $0x10, s5  }
0x14f: {  	[tilespmem:s5+$0x0] =	vst v3;
	s5 =	sadd.s32 $0x10, s5  }
0x150: {  	[tilespmem:s5+$0x0] =	vst v1;
	s5 =	sadd.s32 $0x10, s5  }
0x151: {  	s8 =	simm.s32 $0x0;
	[tilespmem:s5+$0x0] =	vst v2  }
0x152: {  	[hbm4b:s15+s8] =	stream.linear.scatter [tilespmem:s29], [sflag:$0x5], $0x1000, $0x38;
	[tilespmem:$0x1B080] =	vst v63  }
0x153: {  	_ = 	snop  }
0x154: {  	[tilespmem:s21], [sflag:$0x2] =	stream.linear.gather [hbm4b:s16+s8], $0x8000, $0x38;
	[tilespmem:$0x1B080] =	vst v63  }
0x155: {  	_ =	swait.ge [sflag:s30], $0x8000  }
0x156: {  	[sflag:s30] =	ssyncset.done $0x0  }
0x157: {  	[sflag:s30] =	ssyncadd.s32 $0xFFFF8000  }
0x158: {  	_ =	swait.ge [sflag:s2], $0x1000  }
0x159: {  	s6 =	sand.u32 $0x70, s8;
	s5 =	sand.u32 $0x7C00, s8;
	[sflag:s2] =	ssyncset.done $0x0  }
0x15a: {  	s5 =	sor.u32 s6, s5;
	[sflag:s2] =	ssyncadd.s32 $0xFFFFF000  }
0x15b: {  	v0 =	vld [tilespmem:s5+$0x10000]  }
0x15c: {  	v1 =	vld [tilespmem:s5+$0x10080]  }
0x15d: {  	v2 =	vld [tilespmem:s5+$0x10100]  }
0x15e: {  	s9 =	simm.s32 $0x10;
	s10 =	simm.s32 $0x80;
	v3 =	vld [tilespmem:s5+$0x10180]  }
0x15f: {  	s7 =	sand.u32 $0x7C00, s10;
	s6 =	sand.u32 $0x70, s9;
	v4 =	vld [tilespmem:s5+$0x10200]  }
0x160: {  	s8 =	sor.u32 s6, s7;
	v5 =	vld [tilespmem:s5+$0x10280]  }
0x161: {  	s10 =	simm.s32 $0x100;
	s9 =	simm.s32 $0x20;
	v6 =	vld [tilespmem:s8+$0x10000];
	v0 =	vshll.u32 v0, $0x3;
	v1 =	vshll.u32 v1, $0x2  }
0x162: {  	s6 =	sand.u32 $0x70, s9;
	s7 =	sand.u32 $0x7C00, s10;
	v7 =	vld [tilespmem:s8+$0x10180];
	v0 =	vadd.s32 v0, v1  }
0x163: {  	s6 =	sor.u32 s6, s7;
	v1 =	vld [tilespmem:s8+$0x10080];
	v0 =	vadd.s32 v3, v0  }
0x164: {  	v8 =	vld [tilespmem:s6+$0x10000];
	v4 =	vshll.u32 v4, $0x1;
	v2 =	vshll.u32 v2, $0x3;
	v0 =	vshll.u32 v0, $0x2  }
0x165: {  	v4 =	vadd.s32 v5, v4;
	v3 =	vld [tilespmem:s8+$0x10100];
	v0 =	vadd.s32 v0, v2  }
0x166: {  	v2 =	vld [tilespmem:s8+$0x10200];
	v0 =	vadd.s32 v0, v4  }
0x167: {  	v4 =	vld [tilespmem:s8+$0x10280]  }
0x168: {  	v9 =	vld [tilespmem:s6+$0x10180];
	v6 =	vshll.u32 v6, $0x3;
	v1 =	vshll.u32 v1, $0x2  }
0x169: {  	v1 =	vadd.s32 v6, v1;
	v6 =	vld [tilespmem:s6+$0x10080]  }
0x16a: {  	v5 =	vld [tilespmem:s6+$0x10100];
	v1 =	vadd.s32 v7, v1  }
0x16b: {  	s7 =	simm.s32 $0x30;
	s8 =	simm.s32 $0x180;
	v3 =	vshll.u32 v3, $0x3;
	v2 =	vshll.u32 v2, $0x1;
	v1 =	vshll.u32 v1, $0x2;
	v7 =	vld.idx.msk [tilespmem:v0+s23+$0x0], $0xffff  }
0x16c: {  	s5 =	sand.u32 $0x70, s7;
	s7 =	sand.u32 $0x7C00, s8;
	v0 =	vadd.s32 v4, v2;
	v1 =	vadd.s32 v1, v3;
	v3 =	vld [tilespmem:s6+$0x10200]  }
0x16d: {  	s8 =	sor.u32 s5, s7;
	v4 =	vld [tilespmem:s6+$0x10280];
	v0 =	vadd.s32 v1, v0  }
0x16e: {  	v10 =	vld [tilespmem:s8+$0x10000];
	v2 =	vshll.u32 v8, $0x3;
	v6 =	vshll.u32 v6, $0x2  }
0x16f: {  	v8 =	vld [tilespmem:s8+$0x10080];
	v2 =	vadd.s32 v2, v6  }
0x170: {  	v1 =	vld [tilespmem:s8+$0x10100];
	v6 =	vadd.s32 v9, v2  }
0x171: {  	v5 =	vshll.u32 v5, $0x3;
	v2 =	vld [tilespmem:s8+$0x10180];
	v3 =	vshll.u32 v3, $0x1;
	v9 =	vshll.u32 v6, $0x2  }
0x172: {  	s9 =	simm.s32 $0x40;
	s6 =	simm.s32 $0x200;
	v0 =	vld.idx.msk [tilespmem:v0+s23+$0x0], $0xffff;
	v3 =	vadd.s32 v4, v3;
	v4 =	vadd.s32 v9, v5  }
0x173: {  	s10 =	sand.u32 $0x70, s9;
	s9 =	sand.u32 $0x7C00, s6;
	v6 =	vld [tilespmem:s8+$0x10200];
	v3 =	vadd.s32 v4, v3  }
0x174: {  	s5 =	simm.s32 $0x1A080;
	s7 =	sor.u32 s10, s9;
	v5 =	vld [tilespmem:s8+$0x10280]  }
0x175: {  	[tilespmem:s5+$0x0] =	vst v7;
	v7 =	vshll.u32 v10, $0x3;
	v8 =	vshll.u32 v8, $0x2;
	s8 =	simm.s32 $0x50;
	v4 =	vld [tilespmem:s7+$0x10100]  }
.LBB2_12:
0x176: {  	p0 =	sne.s32 s8, $0xFF0;
	v9 =	vld [tilespmem:s7+$0x10000];
	v7 =	vadd.s32 v7, v8;
	s5 =	sadd.s32 $0x10, s5  }
0x177: {  	v8 =	vld [tilespmem:s7+$0x10080];
	v2 =	vadd.s32 v2, v7;
	[tilespmem:s5+$0x0] =	vst v0  }
.Ltmp5:
0x178: {  	v10 =	vshll.u32 v1, $0x3;
	v6 =	vshll.u32 v6, $0x1;
	v7 =	vshll.u32 v2, $0x2;
	v0 =	vld.idx.msk [tilespmem:v3+s23+$0x0], $0xffff;
	(pc) =	sbr.rel @p0 .LBB2_12-.Ltmp5, $4  }
0x179: {  	s6 =	sadd.s32 $0x80, s6;
	v2 =	vld [tilespmem:s7+$0x10180];
	v3 =	vadd.s32 v5, v6;
	v5 =	vadd.s32 v7, v10  }
0x17a: {  	s9 =	sand.u32 $0x70, s8;
	s10 =	sand.u32 $0x7C00, s6;
	v6 =	vld [tilespmem:s7+$0x10200];
	v3 =	vadd.s32 v5, v3;
	v1 =	vmov v4  }
0x17b: {  	v5 =	vld [tilespmem:s7+$0x10280];
	s7 =	sor.u32 s9, s10  }
0x17c: {  	s8 =	sadd.s32 $0x10, s8;
	v7 =	vshll.u32 v9, $0x3;
	v4 =	vld [tilespmem:s7+$0x10100];
	v8 =	vshll.u32 v8, $0x2  }
0x17d: {  	v9 =	vld [tilespmem:s7+$0x10000]  }
0x17e: {  	v10 =	vld [tilespmem:s7+$0x10080];
	_ =	sdelay $0x1  }
0x17f: {  	v11 =	vld [tilespmem:s7+$0x10180]  }
0x180: {  	v12 =	vld [tilespmem:s7+$0x10200]  }
0x181: {  	v7 =	vadd.s32 v7, v8;
	v8 =	vld [tilespmem:s7+$0x10280];
	v1 =	vshll.u32 v1, $0x3  }
0x182: {  	v2 =	vadd.s32 v2, v7;
	v9 =	vshll.u32 v9, $0x3;
	v10 =	vshll.u32 v10, $0x2  }
0x183: {  	v6 =	vshll.u32 v6, $0x1;
	v2 =	vshll.u32 v2, $0x2;
	v7 =	vadd.s32 v9, v10  }
0x184: {  	v5 =	vadd.s32 v5, v6;
	v1 =	vadd.s32 v2, v1;
	v2 =	vadd.s32 v11, v7  }
0x185: {  	v4 =	vshll.u32 v4, $0x3;
	v6 =	vshll.u32 v12, $0x1;
	v2 =	vshll.u32 v2, $0x2  }
0x186: {  	v1 =	vadd.s32 v1, v5;
	v5 =	vadd.s32 v8, v6;
	v2 =	vadd.s32 v2, v4  }
0x187: {  	v2 =	vadd.s32 v2, v5;
	_ =	sdelay $0x2  }
0x188: {  	v3 =	vld.idx.msk [tilespmem:v3+s23+$0x0], $0xffff  }
0x189: {  	v1 =	vld.idx.msk [tilespmem:v1+s23+$0x0], $0xffff  }
0x18a: {  	v2 =	vld.idx.msk [tilespmem:v2+s23+$0x0], $0xffff  }
0x18b: {  	s5 =	sadd.s32 $0x10, s5  }
0x18c: {  	[tilespmem:s5+$0x0] =	vst v0;
	s5 =	sadd.s32 $0x10, s5  }
0x18d: {  	[tilespmem:s5+$0x0] =	vst v3;
	s5 =	sadd.s32 $0x10, s5  }
0x18e: {  	[tilespmem:s5+$0x0] =	vst v1;
	s5 =	sadd.s32 $0x10, s5  }
0x18f: {  	s8 =	simm.s32 $0x0;
	[tilespmem:s5+$0x0] =	vst v2  }
0x190: {  	[hbm4b:s17+s8] =	stream.linear.scatter [tilespmem:s31], [sflag:$0x6], $0x1000, $0x38;
	[tilespmem:$0x1B080] =	vst v63  }
0x191: {  	_ =	swait.ge [sflag:s25], $0x8000  }
0x192: {  	[sflag:s25] =	ssyncset.done $0x0  }
0x193: {  	[sflag:s25] =	ssyncadd.s32 $0xFFFF8000  }
0x194: {  	_ =	swait.ge [sflag:s1], $0x1000  }
0x195: {  	s6 =	sand.u32 $0x70, s8;
	s5 =	sand.u32 $0x7C00, s8;
	[sflag:s1] =	ssyncset.done $0x0  }
0x196: {  	s5 =	sor.u32 s6, s5;
	[sflag:s1] =	ssyncadd.s32 $0xFFFFF000  }
0x197: {  	v0 =	vld [tilespmem:s5+$0x0]  }
0x198: {  	v1 =	vld [tilespmem:s5+$0x80]  }
0x199: {  	v2 =	vld [tilespmem:s5+$0x100]  }
0x19a: {  	s9 =	simm.s32 $0x10;
	s10 =	simm.s32 $0x80;
	v3 =	vld [tilespmem:s5+$0x180]  }
0x19b: {  	s7 =	sand.u32 $0x7C00, s10;
	s6 =	sand.u32 $0x70, s9;
	v4 =	vld [tilespmem:s5+$0x200]  }
0x19c: {  	s8 =	sor.u32 s6, s7;
	v5 =	vld [tilespmem:s5+$0x280]  }
0x19d: {  	s10 =	simm.s32 $0x100;
	s9 =	simm.s32 $0x20;
	v6 =	vld [tilespmem:s8+$0x0];
	v0 =	vshll.u32 v0, $0x3;
	v1 =	vshll.u32 v1, $0x2  }
0x19e: {  	s6 =	sand.u32 $0x70, s9;
	s7 =	sand.u32 $0x7C00, s10;
	v7 =	vld [tilespmem:s8+$0x180];
	v0 =	vadd.s32 v0, v1  }
0x19f: {  	s6 =	sor.u32 s6, s7;
	v1 =	vld [tilespmem:s8+$0x80];
	v0 =	vadd.s32 v3, v0  }
0x1a0: {  	v8 =	vld [tilespmem:s6+$0x0];
	v4 =	vshll.u32 v4, $0x1;
	v2 =	vshll.u32 v2, $0x3;
	v0 =	vshll.u32 v0, $0x2  }
0x1a1: {  	v4 =	vadd.s32 v5, v4;
	v3 =	vld [tilespmem:s8+$0x100];
	v0 =	vadd.s32 v0, v2  }
0x1a2: {  	v2 =	vld [tilespmem:s8+$0x200];
	v0 =	vadd.s32 v0, v4  }
0x1a3: {  	v4 =	vld [tilespmem:s8+$0x280]  }
0x1a4: {  	v9 =	vld [tilespmem:s6+$0x180];
	v6 =	vshll.u32 v6, $0x3;
	v1 =	vshll.u32 v1, $0x2  }
0x1a5: {  	v1 =	vadd.s32 v6, v1;
	v6 =	vld [tilespmem:s6+$0x80]  }
0x1a6: {  	v5 =	vld [tilespmem:s6+$0x100];
	v1 =	vadd.s32 v7, v1  }
0x1a7: {  	s7 =	simm.s32 $0x30;
	s8 =	simm.s32 $0x180;
	v3 =	vshll.u32 v3, $0x3;
	v2 =	vshll.u32 v2, $0x1;
	v1 =	vshll.u32 v1, $0x2;
	v7 =	vld.idx.msk [tilespmem:v0+s23+$0x0], $0xffff  }
0x1a8: {  	s5 =	sand.u32 $0x70, s7;
	s7 =	sand.u32 $0x7C00, s8;
	v0 =	vadd.s32 v4, v2;
	v1 =	vadd.s32 v1, v3;
	v3 =	vld [tilespmem:s6+$0x200]  }
0x1a9: {  	s8 =	sor.u32 s5, s7;
	v4 =	vld [tilespmem:s6+$0x280];
	v0 =	vadd.s32 v1, v0  }
0x1aa: {  	v10 =	vld [tilespmem:s8+$0x0];
	v2 =	vshll.u32 v8, $0x3;
	v6 =	vshll.u32 v6, $0x2  }
0x1ab: {  	v8 =	vld [tilespmem:s8+$0x80];
	v2 =	vadd.s32 v2, v6  }
0x1ac: {  	v1 =	vld [tilespmem:s8+$0x100];
	v6 =	vadd.s32 v9, v2  }
0x1ad: {  	v5 =	vshll.u32 v5, $0x3;
	v2 =	vld [tilespmem:s8+$0x180];
	v3 =	vshll.u32 v3, $0x1;
	v9 =	vshll.u32 v6, $0x2  }
0x1ae: {  	s9 =	simm.s32 $0x40;
	s6 =	simm.s32 $0x200;
	v0 =	vld.idx.msk [tilespmem:v0+s23+$0x0], $0xffff;
	v3 =	vadd.s32 v4, v3;
	v4 =	vadd.s32 v9, v5  }
0x1af: {  	s10 =	sand.u32 $0x70, s9;
	s9 =	sand.u32 $0x7C00, s6;
	v6 =	vld [tilespmem:s8+$0x200];
	v3 =	vadd.s32 v4, v3  }
0x1b0: {  	s5 =	simm.s32 $0x18080;
	s7 =	sor.u32 s10, s9;
	v5 =	vld [tilespmem:s8+$0x280]  }
0x1b1: {  	[tilespmem:s5+$0x0] =	vst v7;
	v7 =	vshll.u32 v10, $0x3;
	v8 =	vshll.u32 v8, $0x2;
	s8 =	simm.s32 $0x50;
	v4 =	vld [tilespmem:s7+$0x100]  }
.LBB2_14:
0x1b2: {  	p0 =	sne.s32 s8, $0xFF0;
	v9 =	vld [tilespmem:s7+$0x0];
	v7 =	vadd.s32 v7, v8;
	s5 =	sadd.s32 $0x10, s5  }
0x1b3: {  	v8 =	vld [tilespmem:s7+$0x80];
	v2 =	vadd.s32 v2, v7;
	[tilespmem:s5+$0x0] =	vst v0  }
.Ltmp6:
0x1b4: {  	v10 =	vshll.u32 v1, $0x3;
	v6 =	vshll.u32 v6, $0x1;
	v7 =	vshll.u32 v2, $0x2;
	v0 =	vld.idx.msk [tilespmem:v3+s23+$0x0], $0xffff;
	(pc) =	sbr.rel @p0 .LBB2_14-.Ltmp6, $4  }
0x1b5: {  	s6 =	sadd.s32 $0x80, s6;
	v2 =	vld [tilespmem:s7+$0x180];
	v3 =	vadd.s32 v5, v6;
	v5 =	vadd.s32 v7, v10  }
0x1b6: {  	s9 =	sand.u32 $0x70, s8;
	s10 =	sand.u32 $0x7C00, s6;
	v6 =	vld [tilespmem:s7+$0x200];
	v3 =	vadd.s32 v5, v3;
	v1 =	vmov v4  }
0x1b7: {  	v5 =	vld [tilespmem:s7+$0x280];
	s7 =	sor.u32 s9, s10  }
0x1b8: {  	s8 =	sadd.s32 $0x10, s8;
	v7 =	vshll.u32 v9, $0x3;
	v4 =	vld [tilespmem:s7+$0x100];
	v8 =	vshll.u32 v8, $0x2  }
0x1b9: {  	v9 =	vld [tilespmem:s7+$0x0]  }
0x1ba: {  	v10 =	vld [tilespmem:s7+$0x80];
	_ =	sdelay $0x1  }
0x1bb: {  	v11 =	vld [tilespmem:s7+$0x180]  }
0x1bc: {  	v12 =	vld [tilespmem:s7+$0x200]  }
0x1bd: {  	v7 =	vadd.s32 v7, v8;
	v8 =	vld [tilespmem:s7+$0x280];
	v1 =	vshll.u32 v1, $0x3  }
0x1be: {  	v2 =	vadd.s32 v2, v7;
	v9 =	vshll.u32 v9, $0x3;
	v10 =	vshll.u32 v10, $0x2  }
0x1bf: {  	v6 =	vshll.u32 v6, $0x1;
	v2 =	vshll.u32 v2, $0x2;
	v7 =	vadd.s32 v9, v10  }
0x1c0: {  	v5 =	vadd.s32 v5, v6;
	v1 =	vadd.s32 v2, v1;
	v2 =	vadd.s32 v11, v7  }
0x1c1: {  	v4 =	vshll.u32 v4, $0x3;
	v6 =	vshll.u32 v12, $0x1;
	v2 =	vshll.u32 v2, $0x2  }
0x1c2: {  	v1 =	vadd.s32 v1, v5;
	v5 =	vadd.s32 v8, v6;
	v2 =	vadd.s32 v2, v4  }
0x1c3: {  	v2 =	vadd.s32 v2, v5;
	_ =	sdelay $0x2  }
0x1c4: {  	v3 =	vld.idx.msk [tilespmem:v3+s23+$0x0], $0xffff  }
0x1c5: {  	v1 =	vld.idx.msk [tilespmem:v1+s23+$0x0], $0xffff  }
0x1c6: {  	v2 =	vld.idx.msk [tilespmem:v2+s23+$0x0], $0xffff  }
0x1c7: {  	s5 =	sadd.s32 $0x10, s5  }
0x1c8: {  	[tilespmem:s5+$0x0] =	vst v0;
	s5 =	sadd.s32 $0x10, s5  }
0x1c9: {  	[tilespmem:s5+$0x0] =	vst v3;
	s5 =	sadd.s32 $0x10, s5  }
0x1ca: {  	[tilespmem:s5+$0x0] =	vst v1;
	s5 =	sadd.s32 $0x10, s5  }
0x1cb: {  	s8 =	simm.s32 $0x0;
	[tilespmem:s5+$0x0] =	vst v2  }
0x1cc: {  	[hbm4b:s18+s8] =	stream.linear.scatter [tilespmem:s26], [sflag:$0x4], $0x1000, $0x38;
	[tilespmem:$0x1B080] =	vst v63  }
0x1cd: {  	_ =	swait.ge [sflag:s28], $0x8000  }
0x1ce: {  	[sflag:s28] =	ssyncset.done $0x0  }
0x1cf: {  	[sflag:s28] =	ssyncadd.s32 $0xFFFF8000  }
0x1d0: {  	_ =	swait.ge [sflag:s0], $0x1000  }
0x1d1: {  	s6 =	sand.u32 $0x70, s8;
	s5 =	sand.u32 $0x7C00, s8;
	[sflag:s0] =	ssyncset.done $0x0  }
0x1d2: {  	s5 =	sor.u32 s6, s5;
	[sflag:s0] =	ssyncadd.s32 $0xFFFFF000  }
0x1d3: {  	v0 =	vld [tilespmem:s5+$0x8000]  }
0x1d4: {  	v1 =	vld [tilespmem:s5+$0x8080]  }
0x1d5: {  	v2 =	vld [tilespmem:s5+$0x8100]  }
0x1d6: {  	s9 =	simm.s32 $0x10;
	s10 =	simm.s32 $0x80;
	v3 =	vld [tilespmem:s5+$0x8180]  }
0x1d7: {  	s7 =	sand.u32 $0x7C00, s10;
	s6 =	sand.u32 $0x70, s9;
	v4 =	vld [tilespmem:s5+$0x8200]  }
0x1d8: {  	s8 =	sor.u32 s6, s7;
	v5 =	vld [tilespmem:s5+$0x8280]  }
0x1d9: {  	s10 =	simm.s32 $0x100;
	s9 =	simm.s32 $0x20;
	v6 =	vld [tilespmem:s8+$0x8000];
	v0 =	vshll.u32 v0, $0x3;
	v1 =	vshll.u32 v1, $0x2  }
0x1da: {  	s6 =	sand.u32 $0x70, s9;
	s7 =	sand.u32 $0x7C00, s10;
	v7 =	vld [tilespmem:s8+$0x8180];
	v0 =	vadd.s32 v0, v1  }
0x1db: {  	s6 =	sor.u32 s6, s7;
	v1 =	vld [tilespmem:s8+$0x8080];
	v0 =	vadd.s32 v3, v0  }
0x1dc: {  	v8 =	vld [tilespmem:s6+$0x8000];
	v4 =	vshll.u32 v4, $0x1;
	v2 =	vshll.u32 v2, $0x3;
	v0 =	vshll.u32 v0, $0x2  }
0x1dd: {  	v4 =	vadd.s32 v5, v4;
	v3 =	vld [tilespmem:s8+$0x8100];
	v0 =	vadd.s32 v0, v2  }
0x1de: {  	v2 =	vld [tilespmem:s8+$0x8200];
	v0 =	vadd.s32 v0, v4  }
0x1df: {  	v4 =	vld [tilespmem:s8+$0x8280]  }
0x1e0: {  	v9 =	vld [tilespmem:s6+$0x8180];
	v6 =	vshll.u32 v6, $0x3;
	v1 =	vshll.u32 v1, $0x2  }
0x1e1: {  	v1 =	vadd.s32 v6, v1;
	v6 =	vld [tilespmem:s6+$0x8080]  }
0x1e2: {  	v5 =	vld [tilespmem:s6+$0x8100];
	v1 =	vadd.s32 v7, v1  }
0x1e3: {  	s7 =	simm.s32 $0x30;
	s8 =	simm.s32 $0x180;
	v3 =	vshll.u32 v3, $0x3;
	v2 =	vshll.u32 v2, $0x1;
	v1 =	vshll.u32 v1, $0x2;
	v7 =	vld.idx.msk [tilespmem:v0+s23+$0x0], $0xffff  }
0x1e4: {  	s5 =	sand.u32 $0x70, s7;
	s7 =	sand.u32 $0x7C00, s8;
	v0 =	vadd.s32 v4, v2;
	v1 =	vadd.s32 v1, v3;
	v3 =	vld [tilespmem:s6+$0x8200]  }
0x1e5: {  	s8 =	sor.u32 s5, s7;
	v4 =	vld [tilespmem:s6+$0x8280];
	v0 =	vadd.s32 v1, v0  }
0x1e6: {  	v10 =	vld [tilespmem:s8+$0x8000];
	v2 =	vshll.u32 v8, $0x3;
	v6 =	vshll.u32 v6, $0x2  }
0x1e7: {  	v8 =	vld [tilespmem:s8+$0x8080];
	v2 =	vadd.s32 v2, v6  }
0x1e8: {  	v1 =	vld [tilespmem:s8+$0x8100];
	v6 =	vadd.s32 v9, v2  }
0x1e9: {  	v5 =	vshll.u32 v5, $0x3;
	v2 =	vld [tilespmem:s8+$0x8180];
	v3 =	vshll.u32 v3, $0x1;
	v9 =	vshll.u32 v6, $0x2  }
0x1ea: {  	s9 =	simm.s32 $0x40;
	s6 =	simm.s32 $0x200;
	v0 =	vld.idx.msk [tilespmem:v0+s23+$0x0], $0xffff;
	v3 =	vadd.s32 v4, v3;
	v4 =	vadd.s32 v9, v5  }
0x1eb: {  	s10 =	sand.u32 $0x70, s9;
	s9 =	sand.u32 $0x7C00, s6;
	v6 =	vld [tilespmem:s8+$0x8200];
	v3 =	vadd.s32 v4, v3  }
0x1ec: {  	s5 =	simm.s32 $0x19080;
	s7 =	sor.u32 s10, s9;
	v5 =	vld [tilespmem:s8+$0x8280]  }
0x1ed: {  	[tilespmem:s5+$0x0] =	vst v7;
	v7 =	vshll.u32 v10, $0x3;
	v8 =	vshll.u32 v8, $0x2;
	s8 =	simm.s32 $0x50;
	v4 =	vld [tilespmem:s7+$0x8100]  }
.LBB2_16:
0x1ee: {  	p0 =	sne.s32 s8, $0xFF0;
	v9 =	vld [tilespmem:s7+$0x8000];
	v7 =	vadd.s32 v7, v8;
	s5 =	sadd.s32 $0x10, s5  }
0x1ef: {  	v8 =	vld [tilespmem:s7+$0x8080];
	v2 =	vadd.s32 v2, v7;
	[tilespmem:s5+$0x0] =	vst v0  }
.Ltmp7:
0x1f0: {  	v10 =	vshll.u32 v1, $0x3;
	v6 =	vshll.u32 v6, $0x1;
	v7 =	vshll.u32 v2, $0x2;
	v0 =	vld.idx.msk [tilespmem:v3+s23+$0x0], $0xffff;
	(pc) =	sbr.rel @p0 .LBB2_16-.Ltmp7, $4  }
0x1f1: {  	s6 =	sadd.s32 $0x80, s6;
	v2 =	vld [tilespmem:s7+$0x8180];
	v3 =	vadd.s32 v5, v6;
	v5 =	vadd.s32 v7, v10  }
0x1f2: {  	s9 =	sand.u32 $0x70, s8;
	s10 =	sand.u32 $0x7C00, s6;
	v6 =	vld [tilespmem:s7+$0x8200];
	v3 =	vadd.s32 v5, v3;
	v1 =	vmov v4  }
0x1f3: {  	v5 =	vld [tilespmem:s7+$0x8280];
	s7 =	sor.u32 s9, s10  }
0x1f4: {  	s8 =	sadd.s32 $0x10, s8;
	v7 =	vshll.u32 v9, $0x3;
	v4 =	vld [tilespmem:s7+$0x8100];
	v8 =	vshll.u32 v8, $0x2  }
0x1f5: {  	v9 =	vld [tilespmem:s7+$0x8000]  }
0x1f6: {  	v10 =	vld [tilespmem:s7+$0x8080];
	_ =	sdelay $0x1  }
0x1f7: {  	v11 =	vld [tilespmem:s7+$0x8180]  }
0x1f8: {  	v12 =	vld [tilespmem:s7+$0x8200]  }
0x1f9: {  	v7 =	vadd.s32 v7, v8;
	v59 =	vld [tilespmem:s7+$0x8280];
	v1 =	vshll.u32 v1, $0x3  }
0x1fa: {  	v2 =	vadd.s32 v2, v7;
	v9 =	vshll.u32 v9, $0x3;
	v10 =	vshll.u32 v10, $0x2  }
0x1fb: {  	v6 =	vshll.u32 v6, $0x1;
	v2 =	vshll.u32 v2, $0x2;
	v60 =	vadd.s32 v9, v10  }
0x1fc: {  	v5 =	vadd.s32 v5, v6;
	v1 =	vadd.s32 v2, v1;
	v61 =	vadd.s32 v11, v60  }
0x1fd: {  	v4 =	vshll.u32 v4, $0x3;
	v62 =	vshll.u32 v12, $0x1;
	v2 =	vshll.u32 v61, $0x2  }
0x1fe: {  	v1 =	vadd.s32 v1, v5;
	v63 =	vadd.s32 v59, v62;
	v2 =	vadd.s32 v2, v4  }
0x1ff: {  	v2 =	vadd.s32 v2, v63;
	_ =	sdelay $0x2  }
0x200: {  	v3 =	vld.idx.msk [tilespmem:v3+s23+$0x0], $0xffff  }
0x201: {  	v1 =	vld.idx.msk [tilespmem:v1+s23+$0x0], $0xffff  }
0x202: {  	v2 =	vld.idx.msk [tilespmem:v2+s23+$0x0], $0xffff  }
0x203: {  	s5 =	sadd.s32 $0x10, s5  }
0x204: {  	[tilespmem:s5+$0x0] =	vst v0;
	s5 =	sadd.s32 $0x10, s5  }
0x205: {  	[tilespmem:s5+$0x0] =	vst v3;
	s5 =	sadd.s32 $0x10, s5  }
0x206: {  	[tilespmem:s5+$0x0] =	vst v1;
	s5 =	sadd.s32 $0x10, s5  }
0x207: {  	[tilespmem:s5+$0x0] =	vst v2  }
0x208: {  	[hbm4b:s19+s3] =	stream.linear.scatter [tilespmem:s29], [sflag:$0x5], $0x1000, $0x38;
	[tilespmem:$0x1B080] =	vst v63  }
0x209: {  	_ =	swait.ge [sflag:s2], $0x1000  }
0x20a: {  	[sflag:s2] =	ssyncset.done $0x0  }
0x20b: {  	s4 =	sadd.s32 $0x1, s4;
	[sflag:s2] =	ssyncadd.s32 $0xFFFFF000  }
0x20c: {  	p0 =	sne.s32 s4, s20;
	_ =	swait.ge [sflag:s1], $0x1000  }
.Ltmp8:
0x20d: {  	[sflag:s1] =	ssyncset.done $0x0;
	(pc) =	sbr.rel @p0 .LBB2_1-.Ltmp8, $4  }
0x20e: {  	[sflag:s1] =	ssyncadd.s32 $0xFFFFF000  }
0x20f: {  	_ =	swait.ge [sflag:s0], $0x1000  }
0x210: {  	[sflag:s0] =	ssyncset.done $0x0  }
0x211: {  	[sflag:s0] =	ssyncadd.s32 $0xFFFFF000  }
0x212: {  	_ =	sfence.sel $0x180000  }
0x213: {  	[bflag:$0x0] =	sbarrier.arrive $0xFFFF  }
0x214: {  	_ =	strace $0x90000047  }
0x215: {  	s0 =	stileid.u32;
	[bflag:$0x2] =	sbarrier.arrive $0xFFFF  }
0x216: {  	p0 =	sne.s32 s0, $0x0;
	s0 =	rddreg [dreg:$0x3]  }
0x217: {  	s0 =	sadd.s32 @!p0 $0x100000, s0  }
0x218: {  	[sflag:s0] =	ssyncadd.tile.s32 @!p0 $0x1;
	_ =	shalt  }
.Lfunc_end2:
_tile_overlayer_lowered:
.L_overlay_start_2:
0x219: {  	(tag) =	ssettag $0x2  }
0x21a: {  	s0 =	rddreg [dreg:$0x0];
	s2 =	stileid.u32  }
0x21b: {  	s1 =	rddreg [dreg:$0x1];
	p0 =	sne.s32 s2, $0x0  }
0x21c: {  	s3 =	rddreg [dreg:$0x2];
	[bflag:$0x3] =	sbarrier.arrive $0xFFFF;
	s2 =	simm.s32 @!p0 $0x1C07  }
0x21d: {  	[timem:s3], [sflag:s2] =	dma.local @!p0 [hbm:s0], s1  }
0x21e: {  	s0 =	simm.s32 @!p0 $0x7  }
0x21f: {  	_ =	swait.ge @!p0 [sflag:s0], s1  }
0x220: {  	s1 =	ssub.s32 @!p0 $0x0, s1;
	[sflag:s0] =	ssyncset.done @!p0 $0x0  }
0x221: {  	[sflag:s0] =	ssyncadd.s32 @!p0 s1  }
0x222: {  	[bflag:$0x3] =	sbarrier.arrive $0xFFFF  }
0x223: {  	_ =	shalt  }

</sc_bundles>
